<compile_context>
chip_gen: v7x
topology: tpu7x:2x2x1
jax: 0.10.2.dev20260603
libtpu: 0.0.44.dev20260713+nightly
codegen_flags: <defaults>
</compile_context>

<pallas_src>
import functools

import jax
import jax.numpy as jnp
from jax import lax
from jax.experimental import pallas as pl
from jax.experimental.pallas import tpu as pltpu
from jax.experimental.pallas import tpu_sc as plsc

N = 10000
E = 320000
D_IN = 128
DH = 16
D_OUT = 128

NC, NS = 2, 16
NW = NC * NS
B = 100
IDX_ROWS = E // B // NW
NPAD = 10240
N_PER_SUB = NPAD // NS

_MESH = plsc.VectorSubcoreMesh(
    core_axis_name="c", subcore_axis_name="s", num_cores=NC, num_subcores=NS)


@functools.partial(
    pl.kernel,
    out_type=jax.ShapeDtypeStruct((NC, NPAD, DH), jnp.float32),
    mesh=_MESH,
    scratch_types=[
        pltpu.VMEM((IDX_ROWS, B), jnp.int32),
        pltpu.VMEM((IDX_ROWS, B), jnp.int32),
        pltpu.VMEM((B, DH), jnp.float32),
        pltpu.VMEM((N_PER_SUB, DH), jnp.float32),
        pltpu.VMEM_SHARED((NPAD, DH), jnp.float32),
        pltpu.SemaphoreType.DMA,
    ],
    compiler_params=pltpu.CompilerParams(use_tc_tiling_on_sc=False),
)
def _edge_pass(table, srcb, dstb, out, sidx, didx, rows, acc, shared, sem):
    c = lax.axis_index("c")
    s = lax.axis_index("s")
    wid = c * NS + s

    def _zrow(i, carry):
        acc[i, :] = jnp.zeros((DH,), jnp.float32)
        return carry
    lax.fori_loop(0, N_PER_SUB, _zrow, 0)
    pltpu.sync_copy(acc, shared.at[pl.ds(s * N_PER_SUB, N_PER_SUB)])

    pltpu.sync_copy(srcb.at[wid], sidx)
    pltpu.sync_copy(dstb.at[wid], didx)
    plsc.subcore_barrier()

    def _batch(g, carry):
        pltpu.async_copy(table.at[sidx.at[g]], rows, sem).wait()
        pltpu.sync_copy(rows, shared.at[didx.at[g]], add=True)
        return carry
    lax.fori_loop(0, IDX_ROWS, _batch, 0)

    plsc.subcore_barrier()
    pltpu.sync_copy(shared.at[pl.ds(s * N_PER_SUB, N_PER_SUB)], acc)
    pltpu.sync_copy(acc, out.at[c, pl.ds(s * N_PER_SUB, N_PER_SUB)])


def _mm_body(x_ref, w_ref, o_ref):
    o_ref[...] = jnp.dot(x_ref[...], w_ref[...],
                         preferred_element_type=jnp.float32)


def _matmul_xw1(x, w):
    R = 1000
    return pl.pallas_call(
        _mm_body,
        grid=(N // R,),
        in_specs=[pl.BlockSpec((R, D_IN), lambda i: (i, 0)),
                  pl.BlockSpec((D_IN, DH), lambda i: (0, 0))],
        out_specs=pl.BlockSpec((R, DH), lambda i: (i, 0)),
        out_shape=jax.ShapeDtypeStruct((N, DH), jnp.float32),
    )(x, w)


def _prep_body(degp_ref, m1_ref, m1s_o, dinv_o, dinv2_o):
    deg = degp_ref[0] + degp_ref[1] + 1.0
    dinv = lax.rsqrt(deg)
    dinv_o[...] = dinv
    dinv2_o[...] = 1.0 / deg
    m1s_o[...] = m1_ref[...] * dinv


def _prep(deg_p, m1):
    return pl.pallas_call(
        _prep_body,
        out_shape=[jax.ShapeDtypeStruct((N, DH), jnp.float32)] * 3,
    )(deg_p, m1)


def _ln_relu(sval, g, b):
    mu = jnp.mean(sval, axis=-1, keepdims=True)
    var = jnp.mean((sval - mu) * (sval - mu), axis=-1, keepdims=True)
    return jnp.maximum((sval - mu) * lax.rsqrt(var + 1e-5) * g + b, 0.0)


def _post1_body(p_ref, m_ref, dinv_ref, dinv2_ref, b_ref, g_ref, be_ref,
                w2_ref, h_o, m2_o, m2s_o):
    sval = ((p_ref[0] + p_ref[1]) * dinv_ref[...]
            + m_ref[...] * dinv2_ref[...] + b_ref[...])
    h = _ln_relu(sval, g_ref[...], be_ref[...])
    h_o[...] = h
    m2 = jnp.dot(h, w2_ref[...], preferred_element_type=jnp.float32)
    m2_o[...] = m2
    m2s_o[...] = m2 * dinv_ref[...]


def _post1(p1, m1, dinv, dinv2, b1, g1, be1, w2):
    return pl.pallas_call(
        _post1_body,
        out_shape=[jax.ShapeDtypeStruct((N, DH), jnp.float32)] * 3,
    )(p1, m1, dinv, dinv2, b1, g1, be1, w2)


def _final_body(p_ref, m2_ref, dinv_ref, dinv2_ref, b_ref, g_ref, be_ref,
                x_ref, h1_ref, wx_ref, wh1_ref, wh2_ref, bp_ref, o_ref):
    sval = ((p_ref[0] + p_ref[1]) * dinv_ref[...]
            + m2_ref[...] * dinv2_ref[...] + b_ref[...])
    h2 = _ln_relu(sval, g_ref[...], be_ref[...])
    acc = jnp.dot(x_ref[...], wx_ref[...], preferred_element_type=jnp.float32)
    acc += jnp.dot(h1_ref[...], wh1_ref[...], preferred_element_type=jnp.float32)
    acc += jnp.dot(h2, wh2_ref[...], preferred_element_type=jnp.float32)
    o_ref[...] = acc + bp_ref[...]


def _final(p2, m2, dinv, dinv2, b2, g2, be2, x, h1, wx, wh1, wh2, bp):
    R = 1000
    small = pl.BlockSpec((R, DH), lambda i: (i, 0))
    row16 = pl.BlockSpec((1, DH), lambda i: (0, 0))
    return pl.pallas_call(
        _final_body,
        grid=(N // R,),
        in_specs=[
            pl.BlockSpec((NC, R, DH), lambda i: (0, i, 0)),
            small, small, small,
            row16, row16, row16,
            pl.BlockSpec((R, D_IN), lambda i: (i, 0)),
            small,
            pl.BlockSpec((D_IN, D_OUT), lambda i: (0, 0)),
            pl.BlockSpec((DH, D_OUT), lambda i: (0, 0)),
            pl.BlockSpec((DH, D_OUT), lambda i: (0, 0)),
            pl.BlockSpec((1, D_OUT), lambda i: (0, 0)),
        ],
        out_specs=pl.BlockSpec((R, D_OUT), lambda i: (i, 0)),
        out_shape=jax.ShapeDtypeStruct((N, D_OUT), jnp.float32),
    )(p2, m2, dinv, dinv2, b2, g2, be2, x, h1, wx, wh1, wh2, bp)


def kernel(x, edge_index, W1, b1, ln1_g, ln1_b, W2, b2, ln2_g, ln2_b, Wp, bp):
    src = edge_index[0].reshape(NW, IDX_ROWS, B)
    dst = edge_index[1].reshape(NW, IDX_ROWS, B)

    b1r, g1r, be1r = (a.reshape(1, DH) for a in (b1, ln1_g, ln1_b))
    b2r, g2r, be2r = (a.reshape(1, DH) for a in (b2, ln2_g, ln2_b))
    bpr = bp.reshape(1, D_OUT)
    wx, wh1, wh2 = Wp[:D_IN], Wp[D_IN:D_IN + DH], Wp[D_IN + DH:]

    ones_t = jnp.ones((N, DH), jnp.float32)
    deg_p = _edge_pass(ones_t, dst, dst)[:, :N]
    m1 = _matmul_xw1(x, W1)
    m1s, dinv, dinv2 = _prep(deg_p, m1)
    p1 = _edge_pass(m1s, src, dst)[:, :N]
    h1, m2, m2s = _post1(p1, m1, dinv, dinv2, b1r, g1r, be1r, W2)
    p2 = _edge_pass(m2s, src, dst)[:, :N]
    return _final(p2, m2, dinv, dinv2, b2r, g2r, be2r, x, h1,
                  wx, wh1, wh2, bpr)

# --- scband reference (transcript-rebuilt; emitter-appended) ---
"""Pipeline reference for scband-jumping-knowledge-62989990363143 (READ-ONLY COPY).

The authoritative reference and input builder live on the scoring server;
editing this copy changes nothing except your own understanding.
"""

import jax, jax.numpy as jnp
import numpy as np

N = 10000
E = 320000
D_IN = 128
D_H = 16
D_OUT = 128
NUM_LAYERS = 2


def setup_inputs(seed: int = 0) -> dict:
    key = jax.random.key(seed)
    ks = jax.random.split(key, 12)
    x = jax.random.normal(ks[0], (N, D_IN), dtype=jnp.float32)
    edge_index = jax.random.randint(ks[1], (2, E), 0, N, dtype=jnp.int32)
    W1 = jax.random.normal(ks[2], (D_IN, D_H), dtype=jnp.float32) * (1.0 / np.sqrt(D_IN))
    b1 = jnp.zeros((D_H,), dtype=jnp.float32)
    ln1_g = jnp.ones((D_H,), dtype=jnp.float32)
    ln1_b = jnp.zeros((D_H,), dtype=jnp.float32)
    W2 = jax.random.normal(ks[3], (D_H, D_H), dtype=jnp.float32) * (1.0 / np.sqrt(D_H))
    b2 = jnp.zeros((D_H,), dtype=jnp.float32)
    ln2_g = jnp.ones((D_H,), dtype=jnp.float32)
    ln2_b = jnp.zeros((D_H,), dtype=jnp.float32)
    d_cat = D_IN + NUM_LAYERS * D_H
    Wp = jax.random.normal(ks[4], (d_cat, D_OUT), dtype=jnp.float32) * (1.0 / np.sqrt(d_cat))
    bp = jnp.zeros((D_OUT,), dtype=jnp.float32)
    return {
        'x': x, 'edge_index': edge_index,
        'W1': W1, 'b1': b1, 'ln1_g': ln1_g, 'ln1_b': ln1_b,
        'W2': W2, 'b2': b2, 'ln2_g': ln2_g, 'ln2_b': ln2_b,
        'Wp': Wp, 'bp': bp,
    }


def reference(x, edge_index, W1, b1, ln1_g, ln1_b, W2, b2, ln2_g, ln2_b, Wp, bp):
    def gcn_conv(h, W, b):
        n = h.shape[0]
        self_idx = jnp.arange(n, dtype=edge_index.dtype)
        src = jnp.concatenate([edge_index[0], self_idx])
        dst = jnp.concatenate([edge_index[1], self_idx])
        # symmetric normalization with self loops (PyG GCNConv default)
        deg = jnp.zeros((n,), h.dtype).at[dst].add(1.0)
        dinv = jnp.where(deg > 0, jax.lax.rsqrt(deg), 0.0)
        norm = dinv[src] * dinv[dst]
        m = h @ W
        msg = jnp.take(m, src, axis=0) * norm[:, None]
        out = jnp.zeros((n, W.shape[1]), h.dtype).at[dst].add(msg)
        return out + b

    def layer_norm(h, g, b):
        mu = jnp.mean(h, axis=-1, keepdims=True)
        var = jnp.var(h, axis=-1, keepdims=True)
        return (h - mu) * jax.lax.rsqrt(var + 1e-5) * g + b

    # block 1: GCNConv -> LayerNorm -> Dropout(eval=identity) -> ReLU
    h1 = jax.nn.relu(layer_norm(gcn_conv(x, W1, b1), ln1_g, ln1_b))
    # block 2
    h2 = jax.nn.relu(layer_norm(gcn_conv(h1, W2, b2), ln2_g, ln2_b))
    x_concat = jnp.concatenate([x, h1, h2], axis=1)
    return x_concat @ Wp + bp

if __name__ == "__main__":
    import jax
    _d = setup_inputs()
    print(jax.jit(kernel)(*tuple(_d.values())))

</pallas_src>

<mosaic_0001>
#map = affine_map<(d0, d1) -> (0, 0)>
#map1 = affine_map<(d0, d1) -> (0, 0, 0)>
module attributes {stable_mosaic.version = 14 : i64} {
  func.func @_edge_pass(%arg0: i32, %arg1: i32, %arg2: memref<10000x16xf32, #tpu.memory_space<hbm>>, %arg3: memref<32x100x100xi32, #tpu.memory_space<hbm>>, %arg4: memref<32x100x100xi32, #tpu.memory_space<hbm>>, %arg5: memref<2x10240x16xf32, #tpu.memory_space<hbm>>, %arg6: memref<100x100xi32, #tpu.memory_space<vmem>>, %arg7: memref<100x100xi32, #tpu.memory_space<vmem>>, %arg8: memref<100x16xf32, #tpu.memory_space<vmem>>, %arg9: memref<640x16xf32, #tpu.memory_space<vmem>>, %arg10: memref<10240x16xf32, #tpu.memory_space<vmem_shared>>, %arg11: memref<!tpu.dma_semaphore, #tpu.memory_space<semaphore_mem>>) attributes {dimension_semantics = [#tpu.dimension_semantics<core_parallel>, #tpu.dimension_semantics<subcore_parallel>], iteration_bounds = array<i64: 2, 16>, scalar_prefetch = 0 : i64, scratch_operands = 6 : i64, tpu.core_type = #tpu.core_type<sc_vector_subcore>, window_params = [{transform_indices = #map}, {transform_indices = #map1}, {transform_indices = #map1}, {transform_indices = #map1}]} {
    %mul3A = arith.constant 16 : i32
    %mul3A_0 = arith.muli %arg0, %mul3A : i32
    %add3A = arith.addi %mul3A_0, %arg1 : i32
    %scan3A = arith.constant 0 : i32
    %scan3A_1 = arith.constant 0 : i32
    %scan3A_2 = arith.constant 640 : i32
    %scan3A_3 = arith.addi %scan3A_1, %scan3A_2 : i32
    %scan3A_4 = arith.constant 1 : i32
    scf.for %scan3A_19 = %scan3A_1 to %scan3A_3 step %scan3A_4  : i32 {
      %broadcast_in_dim3A = arith.constant 0.000000e+00 : f32
      %broadcast_in_dim3A_20 = vector.broadcast %broadcast_in_dim3A : f32 to vector<16xf32>
      %swap3A = arith.index_cast %scan3A_19 : i32 to index
      %swap3A_21 = arith.constant 0 : index
      %swap3A_22 = tpu.vector_load %arg9[%swap3A, %swap3A_21] {strides = array<i32>} : memref<640x16xf32, #tpu.memory_space<vmem>>, vector<1x16xf32>,
      %swap3A_23 = vector.shape_cast %swap3A_22 : vector<1x16xf32> to vector<16xf32>
      %swap3A_24 = vector.shape_cast %broadcast_in_dim3A_20 : vector<16xf32> to vector<1x16xf32>
      tpu.vector_store %arg9[%swap3A, %swap3A_21], %swap3A_24 {strides = array<i32>} : memref<640x16xf32, #tpu.memory_space<vmem>>, vector<1x16xf32>,
    }
    %scan3A_5 = arith.constant 640 : i32
    %mul3A_6 = arith.constant 640 : i32
    %mul3A_7 = arith.muli %arg1, %mul3A_6 : i32
    "tpu.region"() ({
      %run_scoped3A = tpu.sem_alloc : memref<!tpu.dma_semaphore, #tpu.memory_space<semaphore_mem>>
      %dma_start3A = arith.constant 0 : i32
      %dma_start3A_19 = tpu.memref_slice %arg10[%mul3A_7, %dma_start3A] : memref<10240x16xf32, #tpu.memory_space<vmem_shared>> -> memref<640x16xf32, #tpu.memory_space<vmem_shared>>
      %dma_start3A_20 = arith.constant 0 : i32
      %dma_start3A_21 = tpu.memref_slice %arg10[%mul3A_7, %dma_start3A_20] : memref<10240x16xf32, #tpu.memory_space<vmem_shared>> -> memref<640x16xf32, #tpu.memory_space<vmem_shared>>
      tpu.enqueue_dma source(%arg9 : memref<640x16xf32, #tpu.memory_space<vmem>>) target(%dma_start3A_21 : memref<640x16xf32, #tpu.memory_space<vmem_shared>>) target_semaphore(%run_scoped3A : memref<!tpu.dma_semaphore, #tpu.memory_space<semaphore_mem>>)
      %dma_wait3A = arith.constant 0 : i32
      %dma_wait3A_22 = tpu.memref_slice %arg10[%mul3A_7, %dma_wait3A] : memref<10240x16xf32, #tpu.memory_space<vmem_shared>> -> memref<640x16xf32, #tpu.memory_space<vmem_shared>>
      %dma_wait3A_23 = arith.constant 0 : i32
      %dma_wait3A_24 = tpu.memref_slice %arg10[%mul3A_7, %dma_wait3A_23] : memref<10240x16xf32, #tpu.memory_space<vmem_shared>> -> memref<640x16xf32, #tpu.memory_space<vmem_shared>>
      tpu.wait_dma2 semaphore(%run_scoped3A : memref<!tpu.dma_semaphore, #tpu.memory_space<semaphore_mem>>) src(%arg9 : memref<640x16xf32, #tpu.memory_space<vmem>>) dst(%dma_wait3A_24 : memref<640x16xf32, #tpu.memory_space<vmem_shared>>)
      tpu.yield
    }) : () -> ()
    "tpu.region"() ({
      %run_scoped3A = tpu.sem_alloc : memref<!tpu.dma_semaphore, #tpu.memory_space<semaphore_mem>>
      %dma_start3A = arith.constant 0 : i32
      %dma_start3A_19 = arith.constant 0 : i32
      %dma_start3A_20 = tpu.memref_slice %arg3[%add3A, %dma_start3A, %dma_start3A_19] : memref<32x100x100xi32, #tpu.memory_space<hbm>> -> memref<1x100x100xi32, #tpu.memory_space<hbm>>
      %dma_start3A_21 = tpu.memref_squeeze %dma_start3A_20 : memref<1x100x100xi32, #tpu.memory_space<hbm>> -> memref<100x100xi32, #tpu.memory_space<hbm>>
      %dma_start3A_22 = arith.constant 0 : i32
      %dma_start3A_23 = arith.constant 0 : i32
      %dma_start3A_24 = tpu.memref_slice %arg3[%add3A, %dma_start3A_22, %dma_start3A_23] : memref<32x100x100xi32, #tpu.memory_space<hbm>> -> memref<1x100x100xi32, #tpu.memory_space<hbm>>
      %dma_start3A_25 = tpu.memref_squeeze %dma_start3A_24 : memref<1x100x100xi32, #tpu.memory_space<hbm>> -> memref<100x100xi32, #tpu.memory_space<hbm>>
      tpu.enqueue_dma source(%dma_start3A_25 : memref<100x100xi32, #tpu.memory_space<hbm>>) target(%arg6 : memref<100x100xi32, #tpu.memory_space<vmem>>) target_semaphore(%run_scoped3A : memref<!tpu.dma_semaphore, #tpu.memory_space<semaphore_mem>>)
      %dma_wait3A = arith.constant 0 : i32
      %dma_wait3A_26 = arith.constant 0 : i32
      %dma_wait3A_27 = tpu.memref_slice %arg3[%add3A, %dma_wait3A, %dma_wait3A_26] : memref<32x100x100xi32, #tpu.memory_space<hbm>> -> memref<1x100x100xi32, #tpu.memory_space<hbm>>
      %dma_wait3A_28 = tpu.memref_squeeze %dma_wait3A_27 : memref<1x100x100xi32, #tpu.memory_space<hbm>> -> memref<100x100xi32, #tpu.memory_space<hbm>>
      %dma_wait3A_29 = arith.constant 0 : i32
      %dma_wait3A_30 = arith.constant 0 : i32
      %dma_wait3A_31 = tpu.memref_slice %arg3[%add3A, %dma_wait3A_29, %dma_wait3A_30] : memref<32x100x100xi32, #tpu.memory_space<hbm>> -> memref<1x100x100xi32, #tpu.memory_space<hbm>>
      %dma_wait3A_32 = tpu.memref_squeeze %dma_wait3A_31 : memref<1x100x100xi32, #tpu.memory_space<hbm>> -> memref<100x100xi32, #tpu.memory_space<hbm>>
      tpu.wait_dma2 semaphore(%run_scoped3A : memref<!tpu.dma_semaphore, #tpu.memory_space<semaphore_mem>>) src(%dma_wait3A_32 : memref<100x100xi32, #tpu.memory_space<hbm>>) dst(%arg6 : memref<100x100xi32, #tpu.memory_space<vmem>>)
      tpu.yield
    }) : () -> ()
    "tpu.region"() ({
      %run_scoped3A = tpu.sem_alloc : memref<!tpu.dma_semaphore, #tpu.memory_space<semaphore_mem>>
      %dma_start3A = arith.constant 0 : i32
      %dma_start3A_19 = arith.constant 0 : i32
      %dma_start3A_20 = tpu.memref_slice %arg4[%add3A, %dma_start3A, %dma_start3A_19] : memref<32x100x100xi32, #tpu.memory_space<hbm>> -> memref<1x100x100xi32, #tpu.memory_space<hbm>>
      %dma_start3A_21 = tpu.memref_squeeze %dma_start3A_20 : memref<1x100x100xi32, #tpu.memory_space<hbm>> -> memref<100x100xi32, #tpu.memory_space<hbm>>
      %dma_start3A_22 = arith.constant 0 : i32
      %dma_start3A_23 = arith.constant 0 : i32
      %dma_start3A_24 = tpu.memref_slice %arg4[%add3A, %dma_start3A_22, %dma_start3A_23] : memref<32x100x100xi32, #tpu.memory_space<hbm>> -> memref<1x100x100xi32, #tpu.memory_space<hbm>>
      %dma_start3A_25 = tpu.memref_squeeze %dma_start3A_24 : memref<1x100x100xi32, #tpu.memory_space<hbm>> -> memref<100x100xi32, #tpu.memory_space<hbm>>
      tpu.enqueue_dma source(%dma_start3A_25 : memref<100x100xi32, #tpu.memory_space<hbm>>) target(%arg7 : memref<100x100xi32, #tpu.memory_space<vmem>>) target_semaphore(%run_scoped3A : memref<!tpu.dma_semaphore, #tpu.memory_space<semaphore_mem>>)
      %dma_wait3A = arith.constant 0 : i32
      %dma_wait3A_26 = arith.constant 0 : i32
      %dma_wait3A_27 = tpu.memref_slice %arg4[%add3A, %dma_wait3A, %dma_wait3A_26] : memref<32x100x100xi32, #tpu.memory_space<hbm>> -> memref<1x100x100xi32, #tpu.memory_space<hbm>>
      %dma_wait3A_28 = tpu.memref_squeeze %dma_wait3A_27 : memref<1x100x100xi32, #tpu.memory_space<hbm>> -> memref<100x100xi32, #tpu.memory_space<hbm>>
      %dma_wait3A_29 = arith.constant 0 : i32
      %dma_wait3A_30 = arith.constant 0 : i32
      %dma_wait3A_31 = tpu.memref_slice %arg4[%add3A, %dma_wait3A_29, %dma_wait3A_30] : memref<32x100x100xi32, #tpu.memory_space<hbm>> -> memref<1x100x100xi32, #tpu.memory_space<hbm>>
      %dma_wait3A_32 = tpu.memref_squeeze %dma_wait3A_31 : memref<1x100x100xi32, #tpu.memory_space<hbm>> -> memref<100x100xi32, #tpu.memory_space<hbm>>
      tpu.wait_dma2 semaphore(%run_scoped3A : memref<!tpu.dma_semaphore, #tpu.memory_space<semaphore_mem>>) src(%dma_wait3A_32 : memref<100x100xi32, #tpu.memory_space<hbm>>) dst(%arg7 : memref<100x100xi32, #tpu.memory_space<vmem>>)
      tpu.yield
    }) : () -> ()
    %barrier3A = arith.constant 0 : index
    tpu.barrier barrier_id(%barrier3A)
    %scan3A_8 = arith.constant 0 : i32
    %scan3A_9 = arith.constant 0 : i32
    %scan3A_10 = arith.constant 100 : i32
    %scan3A_11 = arith.addi %scan3A_9, %scan3A_10 : i32
    %scan3A_12 = arith.constant 1 : i32
    scf.for %scan3A_19 = %scan3A_9 to %scan3A_11 step %scan3A_12  : i32 {
      %dma_start3A = arith.constant 0 : i32
      %dma_start3A_20 = tpu.memref_slice %arg6[%scan3A_19, %dma_start3A] : memref<100x100xi32, #tpu.memory_space<vmem>> -> memref<1x100xi32, #tpu.memory_space<vmem>>
      %dma_start3A_21 = tpu.memref_squeeze %dma_start3A_20 : memref<1x100xi32, #tpu.memory_space<vmem>> -> memref<100xi32, #tpu.memory_space<vmem>>
      %dma_start3A_22 = arith.constant 0 : i32
      %dma_start3A_23 = arith.constant 0 : i32
      %dma_start3A_24 = tpu.memref_slice %arg2[%dma_start3A_22, %dma_start3A_23] : memref<10000x16xf32, #tpu.memory_space<hbm>> -> memref<10000x16xf32, #tpu.memory_space<hbm>>
      tpu.enqueue_indirect_dma source(%dma_start3A_24 : memref<10000x16xf32, #tpu.memory_space<hbm>>) target(%arg8 : memref<100x16xf32, #tpu.memory_space<vmem>>) offsets(%dma_start3A_21 : memref<100xi32, #tpu.memory_space<vmem>>) semaphore(%arg11 : memref<!tpu.dma_semaphore, #tpu.memory_space<semaphore_mem>>)
      %dma_wait3A = arith.constant 0 : i32
      %dma_wait3A_25 = tpu.memref_slice %arg6[%scan3A_19, %dma_wait3A] : memref<100x100xi32, #tpu.memory_space<vmem>> -> memref<1x100xi32, #tpu.memory_space<vmem>>
      %dma_wait3A_26 = tpu.memref_squeeze %dma_wait3A_25 : memref<1x100xi32, #tpu.memory_space<vmem>> -> memref<100xi32, #tpu.memory_space<vmem>>
      %dma_wait3A_27 = arith.constant 0 : i32
      %dma_wait3A_28 = arith.constant 0 : i32
      %dma_wait3A_29 = tpu.memref_slice %arg2[%dma_wait3A_27, %dma_wait3A_28] : memref<10000x16xf32, #tpu.memory_space<hbm>> -> memref<10000x16xf32, #tpu.memory_space<hbm>>
      tpu.wait_indirect_dma semaphore(%arg11 : memref<!tpu.dma_semaphore, #tpu.memory_space<semaphore_mem>>) src(%dma_wait3A_29 : memref<10000x16xf32, #tpu.memory_space<hbm>>) dst(%arg8 : memref<100x16xf32, #tpu.memory_space<vmem>>)
      "tpu.region"() ({
        %run_scoped3A = tpu.sem_alloc : memref<!tpu.dma_semaphore, #tpu.memory_space<semaphore_mem>>
        %dma_start3A_30 = arith.constant 0 : i32
        %dma_start3A_31 = tpu.memref_slice %arg7[%scan3A_19, %dma_start3A_30] : memref<100x100xi32, #tpu.memory_space<vmem>> -> memref<1x100xi32, #tpu.memory_space<vmem>>
        %dma_start3A_32 = tpu.memref_squeeze %dma_start3A_31 : memref<1x100xi32, #tpu.memory_space<vmem>> -> memref<100xi32, #tpu.memory_space<vmem>>
        %dma_start3A_33 = arith.constant 0 : i32
        %dma_start3A_34 = arith.constant 0 : i32
        %dma_start3A_35 = tpu.memref_slice %arg10[%dma_start3A_33, %dma_start3A_34] : memref<10240x16xf32, #tpu.memory_space<vmem_shared>> -> memref<10240x16xf32, #tpu.memory_space<vmem_shared>>
        tpu.enqueue_indirect_dma source(%arg8 : memref<100x16xf32, #tpu.memory_space<vmem>>) target(%dma_start3A_35 : memref<10240x16xf32, #tpu.memory_space<vmem_shared>>) offsets(%dma_start3A_32 : memref<100xi32, #tpu.memory_space<vmem>>) semaphore(%run_scoped3A : memref<!tpu.dma_semaphore, #tpu.memory_space<semaphore_mem>>) {add = true}
        %dma_wait3A_36 = arith.constant 0 : i32
        %dma_wait3A_37 = tpu.memref_slice %arg7[%scan3A_19, %dma_wait3A_36] : memref<100x100xi32, #tpu.memory_space<vmem>> -> memref<1x100xi32, #tpu.memory_space<vmem>>
        %dma_wait3A_38 = tpu.memref_squeeze %dma_wait3A_37 : memref<1x100xi32, #tpu.memory_space<vmem>> -> memref<100xi32, #tpu.memory_space<vmem>>
        %dma_wait3A_39 = arith.constant 0 : i32
        %dma_wait3A_40 = arith.constant 0 : i32
        %dma_wait3A_41 = tpu.memref_slice %arg10[%dma_wait3A_39, %dma_wait3A_40] : memref<10240x16xf32, #tpu.memory_space<vmem_shared>> -> memref<10240x16xf32, #tpu.memory_space<vmem_shared>>
        tpu.wait_indirect_dma semaphore(%run_scoped3A : memref<!tpu.dma_semaphore, #tpu.memory_space<semaphore_mem>>) src(%arg8 : memref<100x16xf32, #tpu.memory_space<vmem>>) dst(%dma_wait3A_41 : memref<10240x16xf32, #tpu.memory_space<vmem_shared>>)
        tpu.yield
      }) : () -> ()
    }
    %scan3A_13 = arith.constant 100 : i32
    %barrier3A_14 = arith.constant 0 : index
    tpu.barrier barrier_id(%barrier3A_14)
    %mul3A_15 = arith.constant 640 : i32
    %mul3A_16 = arith.muli %arg1, %mul3A_15 : i32
    "tpu.region"() ({
      %run_scoped3A = tpu.sem_alloc : memref<!tpu.dma_semaphore, #tpu.memory_space<semaphore_mem>>
      %dma_start3A = arith.constant 0 : i32
      %dma_start3A_19 = tpu.memref_slice %arg10[%mul3A_16, %dma_start3A] : memref<10240x16xf32, #tpu.memory_space<vmem_shared>> -> memref<640x16xf32, #tpu.memory_space<vmem_shared>>
      %dma_start3A_20 = arith.constant 0 : i32
      %dma_start3A_21 = tpu.memref_slice %arg10[%mul3A_16, %dma_start3A_20] : memref<10240x16xf32, #tpu.memory_space<vmem_shared>> -> memref<640x16xf32, #tpu.memory_space<vmem_shared>>
      tpu.enqueue_dma source(%dma_start3A_21 : memref<640x16xf32, #tpu.memory_space<vmem_shared>>) target(%arg9 : memref<640x16xf32, #tpu.memory_space<vmem>>) target_semaphore(%run_scoped3A : memref<!tpu.dma_semaphore, #tpu.memory_space<semaphore_mem>>)
      %dma_wait3A = arith.constant 0 : i32
      %dma_wait3A_22 = tpu.memref_slice %arg10[%mul3A_16, %dma_wait3A] : memref<10240x16xf32, #tpu.memory_space<vmem_shared>> -> memref<640x16xf32, #tpu.memory_space<vmem_shared>>
      %dma_wait3A_23 = arith.constant 0 : i32
      %dma_wait3A_24 = tpu.memref_slice %arg10[%mul3A_16, %dma_wait3A_23] : memref<10240x16xf32, #tpu.memory_space<vmem_shared>> -> memref<640x16xf32, #tpu.memory_space<vmem_shared>>
      tpu.wait_dma2 semaphore(%run_scoped3A : memref<!tpu.dma_semaphore, #tpu.memory_space<semaphore_mem>>) src(%dma_wait3A_24 : memref<640x16xf32, #tpu.memory_space<vmem_shared>>) dst(%arg9 : memref<640x16xf32, #tpu.memory_space<vmem>>)
      tpu.yield
    }) : () -> ()
    %mul3A_17 = arith.constant 640 : i32
    %mul3A_18 = arith.muli %arg1, %mul3A_17 : i32
    "tpu.region"() ({
      %run_scoped3A = tpu.sem_alloc : memref<!tpu.dma_semaphore, #tpu.memory_space<semaphore_mem>>
      %dma_start3A = arith.constant 0 : i32
      %dma_start3A_19 = tpu.memref_slice %arg5[%arg0, %mul3A_18, %dma_start3A] : memref<2x10240x16xf32, #tpu.memory_space<hbm>> -> memref<1x640x16xf32, #tpu.memory_space<hbm>>
      %dma_start3A_20 = tpu.memref_squeeze %dma_start3A_19 : memref<1x640x16xf32, #tpu.memory_space<hbm>> -> memref<640x16xf32, #tpu.memory_space<hbm>>
      %dma_start3A_21 = arith.constant 0 : i32
      %dma_start3A_22 = tpu.memref_slice %arg5[%arg0, %mul3A_18, %dma_start3A_21] : memref<2x10240x16xf32, #tpu.memory_space<hbm>> -> memref<1x640x16xf32, #tpu.memory_space<hbm>>
      %dma_start3A_23 = tpu.memref_squeeze %dma_start3A_22 : memref<1x640x16xf32, #tpu.memory_space<hbm>> -> memref<640x16xf32, #tpu.memory_space<hbm>>
      tpu.enqueue_dma source(%arg9 : memref<640x16xf32, #tpu.memory_space<vmem>>) target(%dma_start3A_23 : memref<640x16xf32, #tpu.memory_space<hbm>>) target_semaphore(%run_scoped3A : memref<!tpu.dma_semaphore, #tpu.memory_space<semaphore_mem>>)
      %dma_wait3A = arith.constant 0 : i32
      %dma_wait3A_24 = tpu.memref_slice %arg5[%arg0, %mul3A_18, %dma_wait3A] : memref<2x10240x16xf32, #tpu.memory_space<hbm>> -> memref<1x640x16xf32, #tpu.memory_space<hbm>>
      %dma_wait3A_25 = tpu.memref_squeeze %dma_wait3A_24 : memref<1x640x16xf32, #tpu.memory_space<hbm>> -> memref<640x16xf32, #tpu.memory_space<hbm>>
      %dma_wait3A_26 = arith.constant 0 : i32
      %dma_wait3A_27 = tpu.memref_slice %arg5[%arg0, %mul3A_18, %dma_wait3A_26] : memref<2x10240x16xf32, #tpu.memory_space<hbm>> -> memref<1x640x16xf32, #tpu.memory_space<hbm>>
      %dma_wait3A_28 = tpu.memref_squeeze %dma_wait3A_27 : memref<1x640x16xf32, #tpu.memory_space<hbm>> -> memref<640x16xf32, #tpu.memory_space<hbm>>
      tpu.wait_dma2 semaphore(%run_scoped3A : memref<!tpu.dma_semaphore, #tpu.memory_space<semaphore_mem>>) src(%arg9 : memref<640x16xf32, #tpu.memory_space<vmem>>) dst(%dma_wait3A_28 : memref<640x16xf32, #tpu.memory_space<hbm>>)
      tpu.yield
    }) : () -> ()
    return
  }
}

#map = affine_map<(d0, d1) -> (0, 0)>
#map1 = affine_map<(d0, d1) -> (0, 0, 0)>
module attributes {stable_mosaic.version = 14 : i64} {
  func.func @_edge_pass(%arg0: i32, %arg1: i32, %arg2: memref<10000x16xf32, #tpu.memory_space<hbm>>, %arg3: memref<32x100x100xi32, #tpu.memory_space<hbm>>, %arg4: memref<32x100x100xi32, #tpu.memory_space<hbm>>, %arg5: memref<2x10240x16xf32, #tpu.memory_space<hbm>>, %arg6: memref<100x100xi32, #tpu.memory_space<vmem>>, %arg7: memref<100x100xi32, #tpu.memory_space<vmem>>, %arg8: memref<100x16xf32, #tpu.memory_space<vmem>>, %arg9: memref<640x16xf32, #tpu.memory_space<vmem>>, %arg10: memref<10240x16xf32, #tpu.memory_space<vmem_shared>>, %arg11: memref<!tpu.dma_semaphore, #tpu.memory_space<semaphore_mem>>) attributes {dimension_semantics = [#tpu.dimension_semantics<core_parallel>, #tpu.dimension_semantics<subcore_parallel>], iteration_bounds = array<i64: 2, 16>, scalar_prefetch = 0 : i64, scratch_operands = 6 : i64, tpu.core_type = #tpu.core_type<sc_vector_subcore>, window_params = [{transform_indices = #map}, {transform_indices = #map1}, {transform_indices = #map1}, {transform_indices = #map1}]} {
    %mul3A = arith.constant 16 : i32
    %mul3A_0 = arith.muli %arg0, %mul3A : i32
    %add3A = arith.addi %mul3A_0, %arg1 : i32
    %scan3A = arith.constant 0 : i32
    %scan3A_1 = arith.constant 0 : i32
    %scan3A_2 = arith.constant 640 : i32
    %scan3A_3 = arith.addi %scan3A_1, %scan3A_2 : i32
    %scan3A_4 = arith.constant 1 : i32
    scf.for %scan3A_19 = %scan3A_1 to %scan3A_3 step %scan3A_4  : i32 {
      %broadcast_in_dim3A = arith.constant 0.000000e+00 : f32
      %broadcast_in_dim3A_20 = vector.broadcast %broadcast_in_dim3A : f32 to vector<16xf32>
      %swap3A = arith.index_cast %scan3A_19 : i32 to index
      %swap3A_21 = arith.constant 0 : index
      %swap3A_22 = tpu.vector_load %arg9[%swap3A, %swap3A_21] {strides = array<i32>} : memref<640x16xf32, #tpu.memory_space<vmem>>, vector<1x16xf32>,
      %swap3A_23 = vector.shape_cast %swap3A_22 : vector<1x16xf32> to vector<16xf32>
      %swap3A_24 = vector.shape_cast %broadcast_in_dim3A_20 : vector<16xf32> to vector<1x16xf32>
      tpu.vector_store %arg9[%swap3A, %swap3A_21], %swap3A_24 {strides = array<i32>} : memref<640x16xf32, #tpu.memory_space<vmem>>, vector<1x16xf32>,
    }
    %scan3A_5 = arith.constant 640 : i32
    %mul3A_6 = arith.constant 640 : i32
    %mul3A_7 = arith.muli %arg1, %mul3A_6 : i32
    "tpu.region"() ({
      %run_scoped3A = tpu.sem_alloc : memref<!tpu.dma_semaphore, #tpu.memory_space<semaphore_mem>>
      %dma_start3A = arith.constant 0 : i32
      %dma_start3A_19 = tpu.memref_slice %arg10[%mul3A_7, %dma_start3A] : memref<10240x16xf32, #tpu.memory_space<vmem_shared>> -> memref<640x16xf32, #tpu.memory_space<vmem_shared>>
      %dma_start3A_20 = arith.constant 0 : i32
      %dma_start3A_21 = tpu.memref_slice %arg10[%mul3A_7, %dma_start3A_20] : memref<10240x16xf32, #tpu.memory_space<vmem_shared>> -> memref<640x16xf32, #tpu.memory_space<vmem_shared>>
      tpu.enqueue_dma source(%arg9 : memref<640x16xf32, #tpu.memory_space<vmem>>) target(%dma_start3A_21 : memref<640x16xf32, #tpu.memory_space<vmem_shared>>) target_semaphore(%run_scoped3A : memref<!tpu.dma_semaphore, #tpu.memory_space<semaphore_mem>>)
      %dma_wait3A = arith.constant 0 : i32
      %dma_wait3A_22 = tpu.memref_slice %arg10[%mul3A_7, %dma_wait3A] : memref<10240x16xf32, #tpu.memory_space<vmem_shared>> -> memref<640x16xf32, #tpu.memory_space<vmem_shared>>
      %dma_wait3A_23 = arith.constant 0 : i32
      %dma_wait3A_24 = tpu.memref_slice %arg10[%mul3A_7, %dma_wait3A_23] : memref<10240x16xf32, #tpu.memory_space<vmem_shared>> -> memref<640x16xf32, #tpu.memory_space<vmem_shared>>
      tpu.wait_dma2 semaphore(%run_scoped3A : memref<!tpu.dma_semaphore, #tpu.memory_space<semaphore_mem>>) src(%arg9 : memref<640x16xf32, #tpu.memory_space<vmem>>) dst(%dma_wait3A_24 : memref<640x16xf32, #tpu.memory_space<vmem_shared>>)
      tpu.yield
    }) : () -> ()
    "tpu.region"() ({
      %run_scoped3A = tpu.sem_alloc : memref<!tpu.dma_semaphore, #tpu.memory_space<semaphore_mem>>
      %dma_start3A = arith.constant 0 : i32
      %dma_start3A_19 = arith.constant 0 : i32
      %dma_start3A_20 = tpu.memref_slice %arg3[%add3A, %dma_start3A, %dma_start3A_19] : memref<32x100x100xi32, #tpu.memory_space<hbm>> -> memref<1x100x100xi32, #tpu.memory_space<hbm>>
      %dma_start3A_21 = tpu.memref_squeeze %dma_start3A_20 : memref<1x100x100xi32, #tpu.memory_space<hbm>> -> memref<100x100xi32, #tpu.memory_space<hbm>>
      %dma_start3A_22 = arith.constant 0 : i32
      %dma_start3A_23 = arith.constant 0 : i32
      %dma_start3A_24 = tpu.memref_slice %arg3[%add3A, %dma_start3A_22, %dma_start3A_23] : memref<32x100x100xi32, #tpu.memory_space<hbm>> -> memref<1x100x100xi32, #tpu.memory_space<hbm>>
      %dma_start3A_25 = tpu.memref_squeeze %dma_start3A_24 : memref<1x100x100xi32, #tpu.memory_space<hbm>> -> memref<100x100xi32, #tpu.memory_space<hbm>>
      tpu.enqueue_dma source(%dma_start3A_25 : memref<100x100xi32, #tpu.memory_space<hbm>>) target(%arg6 : memref<100x100xi32, #tpu.memory_space<vmem>>) target_semaphore(%run_scoped3A : memref<!tpu.dma_semaphore, #tpu.memory_space<semaphore_mem>>)
      %dma_wait3A = arith.constant 0 : i32
      %dma_wait3A_26 = arith.constant 0 : i32
      %dma_wait3A_27 = tpu.memref_slice %arg3[%add3A, %dma_wait3A, %dma_wait3A_26] : memref<32x100x100xi32, #tpu.memory_space<hbm>> -> memref<1x100x100xi32, #tpu.memory_space<hbm>>
      %dma_wait3A_28 = tpu.memref_squeeze %dma_wait3A_27 : memref<1x100x100xi32, #tpu.memory_space<hbm>> -> memref<100x100xi32, #tpu.memory_space<hbm>>
      %dma_wait3A_29 = arith.constant 0 : i32
      %dma_wait3A_30 = arith.constant 0 : i32
      %dma_wait3A_31 = tpu.memref_slice %arg3[%add3A, %dma_wait3A_29, %dma_wait3A_30] : memref<32x100x100xi32, #tpu.memory_space<hbm>> -> memref<1x100x100xi32, #tpu.memory_space<hbm>>
      %dma_wait3A_32 = tpu.memref_squeeze %dma_wait3A_31 : memref<1x100x100xi32, #tpu.memory_space<hbm>> -> memref<100x100xi32, #tpu.memory_space<hbm>>
      tpu.wait_dma2 semaphore(%run_scoped3A : memref<!tpu.dma_semaphore, #tpu.memory_space<semaphore_mem>>) src(%dma_wait3A_32 : memref<100x100xi32, #tpu.memory_space<hbm>>) dst(%arg6 : memref<100x100xi32, #tpu.memory_space<vmem>>)
      tpu.yield
    }) : () -> ()
    "tpu.region"() ({
      %run_scoped3A = tpu.sem_alloc : memref<!tpu.dma_semaphore, #tpu.memory_space<semaphore_mem>>
      %dma_start3A = arith.constant 0 : i32
      %dma_start3A_19 = arith.constant 0 : i32
      %dma_start3A_20 = tpu.memref_slice %arg4[%add3A, %dma_start3A, %dma_start3A_19] : memref<32x100x100xi32, #tpu.memory_space<hbm>> -> memref<1x100x100xi32, #tpu.memory_space<hbm>>
      %dma_start3A_21 = tpu.memref_squeeze %dma_start3A_20 : memref<1x100x100xi32, #tpu.memory_space<hbm>> -> memref<100x100xi32, #tpu.memory_space<hbm>>
      %dma_start3A_22 = arith.constant 0 : i32
      %dma_start3A_23 = arith.constant 0 : i32
      %dma_start3A_24 = tpu.memref_slice %arg4[%add3A, %dma_start3A_22, %dma_start3A_23] : memref<32x100x100xi32, #tpu.memory_space<hbm>> -> memref<1x100x100xi32, #tpu.memory_space<hbm>>
      %dma_start3A_25 = tpu.memref_squeeze %dma_start3A_24 : memref<1x100x100xi32, #tpu.memory_space<hbm>> -> memref<100x100xi32, #tpu.memory_space<hbm>>
      tpu.enqueue_dma source(%dma_start3A_25 : memref<100x100xi32, #tpu.memory_space<hbm>>) target(%arg7 : memref<100x100xi32, #tpu.memory_space<vmem>>) target_semaphore(%run_scoped3A : memref<!tpu.dma_semaphore, #tpu.memory_space<semaphore_mem>>)
      %dma_wait3A = arith.constant 0 : i32
      %dma_wait3A_26 = arith.constant 0 : i32
      %dma_wait3A_27 = tpu.memref_slice %arg4[%add3A, %dma_wait3A, %dma_wait3A_26] : memref<32x100x100xi32, #tpu.memory_space<hbm>> -> memref<1x100x100xi32, #tpu.memory_space<hbm>>
      %dma_wait3A_28 = tpu.memref_squeeze %dma_wait3A_27 : memref<1x100x100xi32, #tpu.memory_space<hbm>> -> memref<100x100xi32, #tpu.memory_space<hbm>>
      %dma_wait3A_29 = arith.constant 0 : i32
      %dma_wait3A_30 = arith.constant 0 : i32
      %dma_wait3A_31 = tpu.memref_slice %arg4[%add3A, %dma_wait3A_29, %dma_wait3A_30] : memref<32x100x100xi32, #tpu.memory_space<hbm>> -> memref<1x100x100xi32, #tpu.memory_space<hbm>>
      %dma_wait3A_32 = tpu.memref_squeeze %dma_wait3A_31 : memref<1x100x100xi32, #tpu.memory_space<hbm>> -> memref<100x100xi32, #tpu.memory_space<hbm>>
      tpu.wait_dma2 semaphore(%run_scoped3A : memref<!tpu.dma_semaphore, #tpu.memory_space<semaphore_mem>>) src(%dma_wait3A_32 : memref<100x100xi32, #tpu.memory_space<hbm>>) dst(%arg7 : memref<100x100xi32, #tpu.memory_space<vmem>>)
      tpu.yield
    }) : () -> ()
    %barrier3A = arith.constant 0 : index
    tpu.barrier barrier_id(%barrier3A)
    %scan3A_8 = arith.constant 0 : i32
    %scan3A_9 = arith.constant 0 : i32
    %scan3A_10 = arith.constant 100 : i32
    %scan3A_11 = arith.addi %scan3A_9, %scan3A_10 : i32
    %scan3A_12 = arith.constant 1 : i32
    scf.for %scan3A_19 = %scan3A_9 to %scan3A_11 step %scan3A_12  : i32 {
      %dma_start3A = arith.constant 0 : i32
      %dma_start3A_20 = tpu.memref_slice %arg6[%scan3A_19, %dma_start3A] : memref<100x100xi32, #tpu.memory_space<vmem>> -> memref<1x100xi32, #tpu.memory_space<vmem>>
      %dma_start3A_21 = tpu.memref_squeeze %dma_start3A_20 : memref<1x100xi32, #tpu.memory_space<vmem>> -> memref<100xi32, #tpu.memory_space<vmem>>
      %dma_start3A_22 = arith.constant 0 : i32
      %dma_start3A_23 = arith.constant 0 : i32
      %dma_start3A_24 = tpu.memref_slice %arg2[%dma_start3A_22, %dma_start3A_23] : memref<10000x16xf32, #tpu.memory_space<hbm>> -> memref<10000x16xf32, #tpu.memory_space<hbm>>
      tpu.enqueue_indirect_dma source(%dma_start3A_24 : memref<10000x16xf32, #tpu.memory_space<hbm>>) target(%arg8 : memref<100x16xf32, #tpu.memory_space<vmem>>) offsets(%dma_start3A_21 : memref<100xi32, #tpu.memory_space<vmem>>) semaphore(%arg11 : memref<!tpu.dma_semaphore, #tpu.memory_space<semaphore_mem>>)
      %dma_wait3A = arith.constant 0 : i32
      %dma_wait3A_25 = tpu.memref_slice %arg6[%scan3A_19, %dma_wait3A] : memref<100x100xi32, #tpu.memory_space<vmem>> -> memref<1x100xi32, #tpu.memory_space<vmem>>
      %dma_wait3A_26 = tpu.memref_squeeze %dma_wait3A_25 : memref<1x100xi32, #tpu.memory_space<vmem>> -> memref<100xi32, #tpu.memory_space<vmem>>
      %dma_wait3A_27 = arith.constant 0 : i32
      %dma_wait3A_28 = arith.constant 0 : i32
      %dma_wait3A_29 = tpu.memref_slice %arg2[%dma_wait3A_27, %dma_wait3A_28] : memref<10000x16xf32, #tpu.memory_space<hbm>> -> memref<10000x16xf32, #tpu.memory_space<hbm>>
      tpu.wait_indirect_dma semaphore(%arg11 : memref<!tpu.dma_semaphore, #tpu.memory_space<semaphore_mem>>) src(%dma_wait3A_29 : memref<10000x16xf32, #tpu.memory_space<hbm>>) dst(%arg8 : memref<100x16xf32, #tpu.memory_space<vmem>>)
      "tpu.region"() ({
        %run_scoped3A = tpu.sem_alloc : memref<!tpu.dma_semaphore, #tpu.memory_space<semaphore_mem>>
        %dma_start3A_30 = arith.constant 0 : i32
        %dma_start3A_31 = tpu.memref_slice %arg7[%scan3A_19, %dma_start3A_30] : memref<100x100xi32, #tpu.memory_space<vmem>> -> memref<1x100xi32, #tpu.memory_space<vmem>>
        %dma_start3A_32 = tpu.memref_squeeze %dma_start3A_31 : memref<1x100xi32, #tpu.memory_space<vmem>> -> memref<100xi32, #tpu.memory_space<vmem>>
        %dma_start3A_33 = arith.constant 0 : i32
        %dma_start3A_34 = arith.constant 0 : i32
        %dma_start3A_35 = tpu.memref_slice %arg10[%dma_start3A_33, %dma_start3A_34] : memref<10240x16xf32, #tpu.memory_space<vmem_shared>> -> memref<10240x16xf32, #tpu.memory_space<vmem_shared>>
        tpu.enqueue_indirect_dma source(%arg8 : memref<100x16xf32, #tpu.memory_space<vmem>>) target(%dma_start3A_35 : memref<10240x16xf32, #tpu.memory_space<vmem_shared>>) offsets(%dma_start3A_32 : memref<100xi32, #tpu.memory_space<vmem>>) semaphore(%run_scoped3A : memref<!tpu.dma_semaphore, #tpu.memory_space<semaphore_mem>>) {add = true}
        %dma_wait3A_36 = arith.constant 0 : i32
        %dma_wait3A_37 = tpu.memref_slice %arg7[%scan3A_19, %dma_wait3A_36] : memref<100x100xi32, #tpu.memory_space<vmem>> -> memref<1x100xi32, #tpu.memory_space<vmem>>
        %dma_wait3A_38 = tpu.memref_squeeze %dma_wait3A_37 : memref<1x100xi32, #tpu.memory_space<vmem>> -> memref<100xi32, #tpu.memory_space<vmem>>
        %dma_wait3A_39 = arith.constant 0 : i32
        %dma_wait3A_40 = arith.constant 0 : i32
        %dma_wait3A_41 = tpu.memref_slice %arg10[%dma_wait3A_39, %dma_wait3A_40] : memref<10240x16xf32, #tpu.memory_space<vmem_shared>> -> memref<10240x16xf32, #tpu.memory_space<vmem_shared>>
        tpu.wait_indirect_dma semaphore(%run_scoped3A : memref<!tpu.dma_semaphore, #tpu.memory_space<semaphore_mem>>) src(%arg8 : memref<100x16xf32, #tpu.memory_space<vmem>>) dst(%dma_wait3A_41 : memref<10240x16xf32, #tpu.memory_space<vmem_shared>>)
        tpu.yield
      }) : () -> ()
    }
    %scan3A_13 = arith.constant 100 : i32
    %barrier3A_14 = arith.constant 0 : index
    tpu.barrier barrier_id(%barrier3A_14)
    %mul3A_15 = arith.constant 640 : i32
    %mul3A_16 = arith.muli %arg1, %mul3A_15 : i32
    "tpu.region"() ({
      %run_scoped3A = tpu.sem_alloc : memref<!tpu.dma_semaphore, #tpu.memory_space<semaphore_mem>>
      %dma_start3A = arith.constant 0 : i32
      %dma_start3A_19 = tpu.memref_slice %arg10[%mul3A_16, %dma_start3A] : memref<10240x16xf32, #tpu.memory_space<vmem_shared>> -> memref<640x16xf32, #tpu.memory_space<vmem_shared>>
      %dma_start3A_20 = arith.constant 0 : i32
      %dma_start3A_21 = tpu.memref_slice %arg10[%mul3A_16, %dma_start3A_20] : memref<10240x16xf32, #tpu.memory_space<vmem_shared>> -> memref<640x16xf32, #tpu.memory_space<vmem_shared>>
      tpu.enqueue_dma source(%dma_start3A_21 : memref<640x16xf32, #tpu.memory_space<vmem_shared>>) target(%arg9 : memref<640x16xf32, #tpu.memory_space<vmem>>) target_semaphore(%run_scoped3A : memref<!tpu.dma_semaphore, #tpu.memory_space<semaphore_mem>>)
      %dma_wait3A = arith.constant 0 : i32
      %dma_wait3A_22 = tpu.memref_slice %arg10[%mul3A_16, %dma_wait3A] : memref<10240x16xf32, #tpu.memory_space<vmem_shared>> -> memref<640x16xf32, #tpu.memory_space<vmem_shared>>
      %dma_wait3A_23 = arith.constant 0 : i32
      %dma_wait3A_24 = tpu.memref_slice %arg10[%mul3A_16, %dma_wait3A_23] : memref<10240x16xf32, #tpu.memory_space<vmem_shared>> -> memref<640x16xf32, #tpu.memory_space<vmem_shared>>
      tpu.wait_dma2 semaphore(%run_scoped3A : memref<!tpu.dma_semaphore, #tpu.memory_space<semaphore_mem>>) src(%dma_wait3A_24 : memref<640x16xf32, #tpu.memory_space<vmem_shared>>) dst(%arg9 : memref<640x16xf32, #tpu.memory_space<vmem>>)
      tpu.yield
    }) : () -> ()
    %mul3A_17 = arith.constant 640 : i32
    %mul3A_18 = arith.muli %arg1, %mul3A_17 : i32
    "tpu.region"() ({
      %run_scoped3A = tpu.sem_alloc : memref<!tpu.dma_semaphore, #tpu.memory_space<semaphore_mem>>
      %dma_start3A = arith.constant 0 : i32
      %dma_start3A_19 = tpu.memref_slice %arg5[%arg0, %mul3A_18, %dma_start3A] : memref<2x10240x16xf32, #tpu.memory_space<hbm>> -> memref<1x640x16xf32, #tpu.memory_space<hbm>>
      %dma_start3A_20 = tpu.memref_squeeze %dma_start3A_19 : memref<1x640x16xf32, #tpu.memory_space<hbm>> -> memref<640x16xf32, #tpu.memory_space<hbm>>
      %dma_start3A_21 = arith.constant 0 : i32
      %dma_start3A_22 = tpu.memref_slice %arg5[%arg0, %mul3A_18, %dma_start3A_21] : memref<2x10240x16xf32, #tpu.memory_space<hbm>> -> memref<1x640x16xf32, #tpu.memory_space<hbm>>
      %dma_start3A_23 = tpu.memref_squeeze %dma_start3A_22 : memref<1x640x16xf32, #tpu.memory_space<hbm>> -> memref<640x16xf32, #tpu.memory_space<hbm>>
      tpu.enqueue_dma source(%arg9 : memref<640x16xf32, #tpu.memory_space<vmem>>) target(%dma_start3A_23 : memref<640x16xf32, #tpu.memory_space<hbm>>) target_semaphore(%run_scoped3A : memref<!tpu.dma_semaphore, #tpu.memory_space<semaphore_mem>>)
      %dma_wait3A = arith.constant 0 : i32
      %dma_wait3A_24 = tpu.memref_slice %arg5[%arg0, %mul3A_18, %dma_wait3A] : memref<2x10240x16xf32, #tpu.memory_space<hbm>> -> memref<1x640x16xf32, #tpu.memory_space<hbm>>
      %dma_wait3A_25 = tpu.memref_squeeze %dma_wait3A_24 : memref<1x640x16xf32, #tpu.memory_space<hbm>> -> memref<640x16xf32, #tpu.memory_space<hbm>>
      %dma_wait3A_26 = arith.constant 0 : i32
      %dma_wait3A_27 = tpu.memref_slice %arg5[%arg0, %mul3A_18, %dma_wait3A_26] : memref<2x10240x16xf32, #tpu.memory_space<hbm>> -> memref<1x640x16xf32, #tpu.memory_space<hbm>>
      %dma_wait3A_28 = tpu.memref_squeeze %dma_wait3A_27 : memref<1x640x16xf32, #tpu.memory_space<hbm>> -> memref<640x16xf32, #tpu.memory_space<hbm>>
      tpu.wait_dma2 semaphore(%run_scoped3A : memref<!tpu.dma_semaphore, #tpu.memory_space<semaphore_mem>>) src(%arg9 : memref<640x16xf32, #tpu.memory_space<vmem>>) dst(%dma_wait3A_28 : memref<640x16xf32, #tpu.memory_space<hbm>>)
      tpu.yield
    }) : () -> ()
    return
  }
}

#map = affine_map<(d0, d1) -> (0, 0)>
#map1 = affine_map<(d0, d1) -> (0, 0, 0)>
module attributes {stable_mosaic.version = 14 : i64} {
  func.func @_edge_pass(%arg0: i32, %arg1: i32, %arg2: memref<10000x16xf32, #tpu.memory_space<hbm>>, %arg3: memref<32x100x100xi32, #tpu.memory_space<hbm>>, %arg4: memref<32x100x100xi32, #tpu.memory_space<hbm>>, %arg5: memref<2x10240x16xf32, #tpu.memory_space<hbm>>, %arg6: memref<100x100xi32, #tpu.memory_space<vmem>>, %arg7: memref<100x100xi32, #tpu.memory_space<vmem>>, %arg8: memref<100x16xf32, #tpu.memory_space<vmem>>, %arg9: memref<640x16xf32, #tpu.memory_space<vmem>>, %arg10: memref<10240x16xf32, #tpu.memory_space<vmem_shared>>, %arg11: memref<!tpu.dma_semaphore, #tpu.memory_space<semaphore_mem>>) attributes {dimension_semantics = [#tpu.dimension_semantics<core_parallel>, #tpu.dimension_semantics<subcore_parallel>], iteration_bounds = array<i64: 2, 16>, scalar_prefetch = 0 : i64, scratch_operands = 6 : i64, tpu.core_type = #tpu.core_type<sc_vector_subcore>, window_params = [{transform_indices = #map}, {transform_indices = #map1}, {transform_indices = #map1}, {transform_indices = #map1}]} {
    %mul3A = arith.constant 16 : i32
    %mul3A_0 = arith.muli %arg0, %mul3A : i32
    %add3A = arith.addi %mul3A_0, %arg1 : i32
    %scan3A = arith.constant 0 : i32
    %scan3A_1 = arith.constant 0 : i32
    %scan3A_2 = arith.constant 640 : i32
    %scan3A_3 = arith.addi %scan3A_1, %scan3A_2 : i32
    %scan3A_4 = arith.constant 1 : i32
    scf.for %scan3A_19 = %scan3A_1 to %scan3A_3 step %scan3A_4  : i32 {
      %broadcast_in_dim3A = arith.constant 0.000000e+00 : f32
      %broadcast_in_dim3A_20 = vector.broadcast %broadcast_in_dim3A : f32 to vector<16xf32>
      %swap3A = arith.index_cast %scan3A_19 : i32 to index
      %swap3A_21 = arith.constant 0 : index
      %swap3A_22 = tpu.vector_load %arg9[%swap3A, %swap3A_21] {strides = array<i32>} : memref<640x16xf32, #tpu.memory_space<vmem>>, vector<1x16xf32>,
      %swap3A_23 = vector.shape_cast %swap3A_22 : vector<1x16xf32> to vector<16xf32>
      %swap3A_24 = vector.shape_cast %broadcast_in_dim3A_20 : vector<16xf32> to vector<1x16xf32>
      tpu.vector_store %arg9[%swap3A, %swap3A_21], %swap3A_24 {strides = array<i32>} : memref<640x16xf32, #tpu.memory_space<vmem>>, vector<1x16xf32>,
    }
    %scan3A_5 = arith.constant 640 : i32
    %mul3A_6 = arith.constant 640 : i32
    %mul3A_7 = arith.muli %arg1, %mul3A_6 : i32
    "tpu.region"() ({
      %run_scoped3A = tpu.sem_alloc : memref<!tpu.dma_semaphore, #tpu.memory_space<semaphore_mem>>
      %dma_start3A = arith.constant 0 : i32
      %dma_start3A_19 = tpu.memref_slice %arg10[%mul3A_7, %dma_start3A] : memref<10240x16xf32, #tpu.memory_space<vmem_shared>> -> memref<640x16xf32, #tpu.memory_space<vmem_shared>>
      %dma_start3A_20 = arith.constant 0 : i32
      %dma_start3A_21 = tpu.memref_slice %arg10[%mul3A_7, %dma_start3A_20] : memref<10240x16xf32, #tpu.memory_space<vmem_shared>> -> memref<640x16xf32, #tpu.memory_space<vmem_shared>>
      tpu.enqueue_dma source(%arg9 : memref<640x16xf32, #tpu.memory_space<vmem>>) target(%dma_start3A_21 : memref<640x16xf32, #tpu.memory_space<vmem_shared>>) target_semaphore(%run_scoped3A : memref<!tpu.dma_semaphore, #tpu.memory_space<semaphore_mem>>)
      %dma_wait3A = arith.constant 0 : i32
      %dma_wait3A_22 = tpu.memref_slice %arg10[%mul3A_7, %dma_wait3A] : memref<10240x16xf32, #tpu.memory_space<vmem_shared>> -> memref<640x16xf32, #tpu.memory_space<vmem_shared>>
      %dma_wait3A_23 = arith.constant 0 : i32
      %dma_wait3A_24 = tpu.memref_slice %arg10[%mul3A_7, %dma_wait3A_23] : memref<10240x16xf32, #tpu.memory_space<vmem_shared>> -> memref<640x16xf32, #tpu.memory_space<vmem_shared>>
      tpu.wait_dma2 semaphore(%run_scoped3A : memref<!tpu.dma_semaphore, #tpu.memory_space<semaphore_mem>>) src(%arg9 : memref<640x16xf32, #tpu.memory_space<vmem>>) dst(%dma_wait3A_24 : memref<640x16xf32, #tpu.memory_space<vmem_shared>>)
      tpu.yield
    }) : () -> ()
    "tpu.region"() ({
      %run_scoped3A = tpu.sem_alloc : memref<!tpu.dma_semaphore, #tpu.memory_space<semaphore_mem>>
      %dma_start3A = arith.constant 0 : i32
      %dma_start3A_19 = arith.constant 0 : i32
      %dma_start3A_20 = tpu.memref_slice %arg3[%add3A, %dma_start3A, %dma_start3A_19] : memref<32x100x100xi32, #tpu.memory_space<hbm>> -> memref<1x100x100xi32, #tpu.memory_space<hbm>>
      %dma_start3A_21 = tpu.memref_squeeze %dma_start3A_20 : memref<1x100x100xi32, #tpu.memory_space<hbm>> -> memref<100x100xi32, #tpu.memory_space<hbm>>
      %dma_start3A_22 = arith.constant 0 : i32
      %dma_start3A_23 = arith.constant 0 : i32
      %dma_start3A_24 = tpu.memref_slice %arg3[%add3A, %dma_start3A_22, %dma_start3A_23] : memref<32x100x100xi32, #tpu.memory_space<hbm>> -> memref<1x100x100xi32, #tpu.memory_space<hbm>>
      %dma_start3A_25 = tpu.memref_squeeze %dma_start3A_24 : memref<1x100x100xi32, #tpu.memory_space<hbm>> -> memref<100x100xi32, #tpu.memory_space<hbm>>
      tpu.enqueue_dma source(%dma_start3A_25 : memref<100x100xi32, #tpu.memory_space<hbm>>) target(%arg6 : memref<100x100xi32, #tpu.memory_space<vmem>>) target_semaphore(%run_scoped3A : memref<!tpu.dma_semaphore, #tpu.memory_space<semaphore_mem>>)
      %dma_wait3A = arith.constant 0 : i32
      %dma_wait3A_26 = arith.constant 0 : i32
      %dma_wait3A_27 = tpu.memref_slice %arg3[%add3A, %dma_wait3A, %dma_wait3A_26] : memref<32x100x100xi32, #tpu.memory_space<hbm>> -> memref<1x100x100xi32, #tpu.memory_space<hbm>>
      %dma_wait3A_28 = tpu.memref_squeeze %dma_wait3A_27 : memref<1x100x100xi32, #tpu.memory_space<hbm>> -> memref<100x100xi32, #tpu.memory_space<hbm>>
      %dma_wait3A_29 = arith.constant 0 : i32
      %dma_wait3A_30 = arith.constant 0 : i32
      %dma_wait3A_31 = tpu.memref_slice %arg3[%add3A, %dma_wait3A_29, %dma_wait3A_30] : memref<32x100x100xi32, #tpu.memory_space<hbm>> -> memref<1x100x100xi32, #tpu.memory_space<hbm>>
      %dma_wait3A_32 = tpu.memref_squeeze %dma_wait3A_31 : memref<1x100x100xi32, #tpu.memory_space<hbm>> -> memref<100x100xi32, #tpu.memory_space<hbm>>
      tpu.wait_dma2 semaphore(%run_scoped3A : memref<!tpu.dma_semaphore, #tpu.memory_space<semaphore_mem>>) src(%dma_wait3A_32 : memref<100x100xi32, #tpu.memory_space<hbm>>) dst(%arg6 : memref<100x100xi32, #tpu.memory_space<vmem>>)
      tpu.yield
    }) : () -> ()
    "tpu.region"() ({
      %run_scoped3A = tpu.sem_alloc : memref<!tpu.dma_semaphore, #tpu.memory_space<semaphore_mem>>
      %dma_start3A = arith.constant 0 : i32
      %dma_start3A_19 = arith.constant 0 : i32
      %dma_start3A_20 = tpu.memref_slice %arg4[%add3A, %dma_start3A, %dma_start3A_19] : memref<32x100x100xi32, #tpu.memory_space<hbm>> -> memref<1x100x100xi32, #tpu.memory_space<hbm>>
      %dma_start3A_21 = tpu.memref_squeeze %dma_start3A_20 : memref<1x100x100xi32, #tpu.memory_space<hbm>> -> memref<100x100xi32, #tpu.memory_space<hbm>>
      %dma_start3A_22 = arith.constant 0 : i32
      %dma_start3A_23 = arith.constant 0 : i32
      %dma_start3A_24 = tpu.memref_slice %arg4[%add3A, %dma_start3A_22, %dma_start3A_23] : memref<32x100x100xi32, #tpu.memory_space<hbm>> -> memref<1x100x100xi32, #tpu.memory_space<hbm>>
      %dma_start3A_25 = tpu.memref_squeeze %dma_start3A_24 : memref<1x100x100xi32, #tpu.memory_space<hbm>> -> memref<100x100xi32, #tpu.memory_space<hbm>>
      tpu.enqueue_dma source(%dma_start3A_25 : memref<100x100xi32, #tpu.memory_space<hbm>>) target(%arg7 : memref<100x100xi32, #tpu.memory_space<vmem>>) target_semaphore(%run_scoped3A : memref<!tpu.dma_semaphore, #tpu.memory_space<semaphore_mem>>)
      %dma_wait3A = arith.constant 0 : i32
      %dma_wait3A_26 = arith.constant 0 : i32
      %dma_wait3A_27 = tpu.memref_slice %arg4[%add3A, %dma_wait3A, %dma_wait3A_26] : memref<32x100x100xi32, #tpu.memory_space<hbm>> -> memref<1x100x100xi32, #tpu.memory_space<hbm>>
      %dma_wait3A_28 = tpu.memref_squeeze %dma_wait3A_27 : memref<1x100x100xi32, #tpu.memory_space<hbm>> -> memref<100x100xi32, #tpu.memory_space<hbm>>
      %dma_wait3A_29 = arith.constant 0 : i32
      %dma_wait3A_30 = arith.constant 0 : i32
      %dma_wait3A_31 = tpu.memref_slice %arg4[%add3A, %dma_wait3A_29, %dma_wait3A_30] : memref<32x100x100xi32, #tpu.memory_space<hbm>> -> memref<1x100x100xi32, #tpu.memory_space<hbm>>
      %dma_wait3A_32 = tpu.memref_squeeze %dma_wait3A_31 : memref<1x100x100xi32, #tpu.memory_space<hbm>> -> memref<100x100xi32, #tpu.memory_space<hbm>>
      tpu.wait_dma2 semaphore(%run_scoped3A : memref<!tpu.dma_semaphore, #tpu.memory_space<semaphore_mem>>) src(%dma_wait3A_32 : memref<100x100xi32, #tpu.memory_space<hbm>>) dst(%arg7 : memref<100x100xi32, #tpu.memory_space<vmem>>)
      tpu.yield
    }) : () -> ()
    %barrier3A = arith.constant 0 : index
    tpu.barrier barrier_id(%barrier3A)
    %scan3A_8 = arith.constant 0 : i32
    %scan3A_9 = arith.constant 0 : i32
    %scan3A_10 = arith.constant 100 : i32
    %scan3A_11 = arith.addi %scan3A_9, %scan3A_10 : i32
    %scan3A_12 = arith.constant 1 : i32
    scf.for %scan3A_19 = %scan3A_9 to %scan3A_11 step %scan3A_12  : i32 {
      %dma_start3A = arith.constant 0 : i32
      %dma_start3A_20 = tpu.memref_slice %arg6[%scan3A_19, %dma_start3A] : memref<100x100xi32, #tpu.memory_space<vmem>> -> memref<1x100xi32, #tpu.memory_space<vmem>>
      %dma_start3A_21 = tpu.memref_squeeze %dma_start3A_20 : memref<1x100xi32, #tpu.memory_space<vmem>> -> memref<100xi32, #tpu.memory_space<vmem>>
      %dma_start3A_22 = arith.constant 0 : i32
      %dma_start3A_23 = arith.constant 0 : i32
      %dma_start3A_24 = tpu.memref_slice %arg2[%dma_start3A_22, %dma_start3A_23] : memref<10000x16xf32, #tpu.memory_space<hbm>> -> memref<10000x16xf32, #tpu.memory_space<hbm>>
      tpu.enqueue_indirect_dma source(%dma_start3A_24 : memref<10000x16xf32, #tpu.memory_space<hbm>>) target(%arg8 : memref<100x16xf32, #tpu.memory_space<vmem>>) offsets(%dma_start3A_21 : memref<100xi32, #tpu.memory_space<vmem>>) semaphore(%arg11 : memref<!tpu.dma_semaphore, #tpu.memory_space<semaphore_mem>>)
      %dma_wait3A = arith.constant 0 : i32
      %dma_wait3A_25 = tpu.memref_slice %arg6[%scan3A_19, %dma_wait3A] : memref<100x100xi32, #tpu.memory_space<vmem>> -> memref<1x100xi32, #tpu.memory_space<vmem>>
      %dma_wait3A_26 = tpu.memref_squeeze %dma_wait3A_25 : memref<1x100xi32, #tpu.memory_space<vmem>> -> memref<100xi32, #tpu.memory_space<vmem>>
      %dma_wait3A_27 = arith.constant 0 : i32
      %dma_wait3A_28 = arith.constant 0 : i32
      %dma_wait3A_29 = tpu.memref_slice %arg2[%dma_wait3A_27, %dma_wait3A_28] : memref<10000x16xf32, #tpu.memory_space<hbm>> -> memref<10000x16xf32, #tpu.memory_space<hbm>>
      tpu.wait_indirect_dma semaphore(%arg11 : memref<!tpu.dma_semaphore, #tpu.memory_space<semaphore_mem>>) src(%dma_wait3A_29 : memref<10000x16xf32, #tpu.memory_space<hbm>>) dst(%arg8 : memref<100x16xf32, #tpu.memory_space<vmem>>)
      "tpu.region"() ({
        %run_scoped3A = tpu.sem_alloc : memref<!tpu.dma_semaphore, #tpu.memory_space<semaphore_mem>>
        %dma_start3A_30 = arith.constant 0 : i32
        %dma_start3A_31 = tpu.memref_slice %arg7[%scan3A_19, %dma_start3A_30] : memref<100x100xi32, #tpu.memory_space<vmem>> -> memref<1x100xi32, #tpu.memory_space<vmem>>
        %dma_start3A_32 = tpu.memref_squeeze %dma_start3A_31 : memref<1x100xi32, #tpu.memory_space<vmem>> -> memref<100xi32, #tpu.memory_space<vmem>>
        %dma_start3A_33 = arith.constant 0 : i32
        %dma_start3A_34 = arith.constant 0 : i32
        %dma_start3A_35 = tpu.memref_slice %arg10[%dma_start3A_33, %dma_start3A_34] : memref<10240x16xf32, #tpu.memory_space<vmem_shared>> -> memref<10240x16xf32, #tpu.memory_space<vmem_shared>>
        tpu.enqueue_indirect_dma source(%arg8 : memref<100x16xf32, #tpu.memory_space<vmem>>) target(%dma_start3A_35 : memref<10240x16xf32, #tpu.memory_space<vmem_shared>>) offsets(%dma_start3A_32 : memref<100xi32, #tpu.memory_space<vmem>>) semaphore(%run_scoped3A : memref<!tpu.dma_semaphore, #tpu.memory_space<semaphore_mem>>) {add = true}
        %dma_wait3A_36 = arith.constant 0 : i32
        %dma_wait3A_37 = tpu.memref_slice %arg7[%scan3A_19, %dma_wait3A_36] : memref<100x100xi32, #tpu.memory_space<vmem>> -> memref<1x100xi32, #tpu.memory_space<vmem>>
        %dma_wait3A_38 = tpu.memref_squeeze %dma_wait3A_37 : memref<1x100xi32, #tpu.memory_space<vmem>> -> memref<100xi32, #tpu.memory_space<vmem>>
        %dma_wait3A_39 = arith.constant 0 : i32
        %dma_wait3A_40 = arith.constant 0 : i32
        %dma_wait3A_41 = tpu.memref_slice %arg10[%dma_wait3A_39, %dma_wait3A_40] : memref<10240x16xf32, #tpu.memory_space<vmem_shared>> -> memref<10240x16xf32, #tpu.memory_space<vmem_shared>>
        tpu.wait_indirect_dma semaphore(%run_scoped3A : memref<!tpu.dma_semaphore, #tpu.memory_space<semaphore_mem>>) src(%arg8 : memref<100x16xf32, #tpu.memory_space<vmem>>) dst(%dma_wait3A_41 : memref<10240x16xf32, #tpu.memory_space<vmem_shared>>)
        tpu.yield
      }) : () -> ()
    }
    %scan3A_13 = arith.constant 100 : i32
    %barrier3A_14 = arith.constant 0 : index
    tpu.barrier barrier_id(%barrier3A_14)
    %mul3A_15 = arith.constant 640 : i32
    %mul3A_16 = arith.muli %arg1, %mul3A_15 : i32
    "tpu.region"() ({
      %run_scoped3A = tpu.sem_alloc : memref<!tpu.dma_semaphore, #tpu.memory_space<semaphore_mem>>
      %dma_start3A = arith.constant 0 : i32
      %dma_start3A_19 = tpu.memref_slice %arg10[%mul3A_16, %dma_start3A] : memref<10240x16xf32, #tpu.memory_space<vmem_shared>> -> memref<640x16xf32, #tpu.memory_space<vmem_shared>>
      %dma_start3A_20 = arith.constant 0 : i32
      %dma_start3A_21 = tpu.memref_slice %arg10[%mul3A_16, %dma_start3A_20] : memref<10240x16xf32, #tpu.memory_space<vmem_shared>> -> memref<640x16xf32, #tpu.memory_space<vmem_shared>>
      tpu.enqueue_dma source(%dma_start3A_21 : memref<640x16xf32, #tpu.memory_space<vmem_shared>>) target(%arg9 : memref<640x16xf32, #tpu.memory_space<vmem>>) target_semaphore(%run_scoped3A : memref<!tpu.dma_semaphore, #tpu.memory_space<semaphore_mem>>)
      %dma_wait3A = arith.constant 0 : i32
      %dma_wait3A_22 = tpu.memref_slice %arg10[%mul3A_16, %dma_wait3A] : memref<10240x16xf32, #tpu.memory_space<vmem_shared>> -> memref<640x16xf32, #tpu.memory_space<vmem_shared>>
      %dma_wait3A_23 = arith.constant 0 : i32
      %dma_wait3A_24 = tpu.memref_slice %arg10[%mul3A_16, %dma_wait3A_23] : memref<10240x16xf32, #tpu.memory_space<vmem_shared>> -> memref<640x16xf32, #tpu.memory_space<vmem_shared>>
      tpu.wait_dma2 semaphore(%run_scoped3A : memref<!tpu.dma_semaphore, #tpu.memory_space<semaphore_mem>>) src(%dma_wait3A_24 : memref<640x16xf32, #tpu.memory_space<vmem_shared>>) dst(%arg9 : memref<640x16xf32, #tpu.memory_space<vmem>>)
      tpu.yield
    }) : () -> ()
    %mul3A_17 = arith.constant 640 : i32
    %mul3A_18 = arith.muli %arg1, %mul3A_17 : i32
    "tpu.region"() ({
      %run_scoped3A = tpu.sem_alloc : memref<!tpu.dma_semaphore, #tpu.memory_space<semaphore_mem>>
      %dma_start3A = arith.constant 0 : i32
      %dma_start3A_19 = tpu.memref_slice %arg5[%arg0, %mul3A_18, %dma_start3A] : memref<2x10240x16xf32, #tpu.memory_space<hbm>> -> memref<1x640x16xf32, #tpu.memory_space<hbm>>
      %dma_start3A_20 = tpu.memref_squeeze %dma_start3A_19 : memref<1x640x16xf32, #tpu.memory_space<hbm>> -> memref<640x16xf32, #tpu.memory_space<hbm>>
      %dma_start3A_21 = arith.constant 0 : i32
      %dma_start3A_22 = tpu.memref_slice %arg5[%arg0, %mul3A_18, %dma_start3A_21] : memref<2x10240x16xf32, #tpu.memory_space<hbm>> -> memref<1x640x16xf32, #tpu.memory_space<hbm>>
      %dma_start3A_23 = tpu.memref_squeeze %dma_start3A_22 : memref<1x640x16xf32, #tpu.memory_space<hbm>> -> memref<640x16xf32, #tpu.memory_space<hbm>>
      tpu.enqueue_dma source(%arg9 : memref<640x16xf32, #tpu.memory_space<vmem>>) target(%dma_start3A_23 : memref<640x16xf32, #tpu.memory_space<hbm>>) target_semaphore(%run_scoped3A : memref<!tpu.dma_semaphore, #tpu.memory_space<semaphore_mem>>)
      %dma_wait3A = arith.constant 0 : i32
      %dma_wait3A_24 = tpu.memref_slice %arg5[%arg0, %mul3A_18, %dma_wait3A] : memref<2x10240x16xf32, #tpu.memory_space<hbm>> -> memref<1x640x16xf32, #tpu.memory_space<hbm>>
      %dma_wait3A_25 = tpu.memref_squeeze %dma_wait3A_24 : memref<1x640x16xf32, #tpu.memory_space<hbm>> -> memref<640x16xf32, #tpu.memory_space<hbm>>
      %dma_wait3A_26 = arith.constant 0 : i32
      %dma_wait3A_27 = tpu.memref_slice %arg5[%arg0, %mul3A_18, %dma_wait3A_26] : memref<2x10240x16xf32, #tpu.memory_space<hbm>> -> memref<1x640x16xf32, #tpu.memory_space<hbm>>
      %dma_wait3A_28 = tpu.memref_squeeze %dma_wait3A_27 : memref<1x640x16xf32, #tpu.memory_space<hbm>> -> memref<640x16xf32, #tpu.memory_space<hbm>>
      tpu.wait_dma2 semaphore(%run_scoped3A : memref<!tpu.dma_semaphore, #tpu.memory_space<semaphore_mem>>) src(%arg9 : memref<640x16xf32, #tpu.memory_space<vmem>>) dst(%dma_wait3A_28 : memref<640x16xf32, #tpu.memory_space<hbm>>)
      tpu.yield
    }) : () -> ()
    return
  }
}

module attributes {stable_mosaic.version = 14 : i64} {
  func.func @_mm_body(%arg0: i32, %arg1: memref<1000x128xf32, #tpu.memory_space<vmem>>, %arg2: memref<128x16xf32, #tpu.memory_space<vmem>>, %arg3: memref<1000x16xf32, #tpu.memory_space<vmem>>) attributes {dimension_semantics = [#tpu.dimension_semantics<arbitrary>], iteration_bounds = array<i64: 10>, scalar_prefetch = 0 : i64, scratch_operands = 0 : i64, tpu.core_type = #tpu.core_type<tc>, window_params = [{transform_indices = @transform_0, window_bounds = array<i64: 1000, 128>}, {pipeline_mode = #tpu.pipeline_mode<synchronous>, transform_indices = @transform_1, window_bounds = array<i64: 128, 16>}, {transform_indices = @transform_2, window_bounds = array<i64: 1000, 16>}]} {
    %get3A = arith.constant 0 : index
    %get3A_0 = arith.constant 0 : index
    %get3A_1 = vector.load %arg1[%get3A, %get3A_0] : memref<1000x128xf32, #tpu.memory_space<vmem>>, vector<1000x128xf32>
    %get3A_2 = arith.constant 0 : index
    %get3A_3 = arith.constant 0 : index
    %get3A_4 = vector.load %arg2[%get3A_2, %get3A_3] : memref<128x16xf32, #tpu.memory_space<vmem>>, vector<128x16xf32>
    %dot_general3A = arith.constant dense<0.000000e+00> : vector<1000x16xf32>
    %dot_general3A_5 = tpu.matmul %get3A_1, %get3A_4, %dot_general3A {dimension_numbers = #tpu.dot_dimension_numbers<[1], [0], [0], [1], [0, 0, 1, 1], [], []>, transpose_lhs_hint = false} : vector<1000x128xf32>, vector<128x16xf32>, vector<1000x16xf32> -> vector<1000x16xf32>
    %swap3A = arith.constant 0 : index
    %swap3A_6 = arith.constant 0 : index
    %swap3A_7 = vector.load %arg3[%swap3A, %swap3A_6] : memref<1000x16xf32, #tpu.memory_space<vmem>>, vector<1000x16xf32>
    tpu.vector_store %arg3[%swap3A, %swap3A_6], %dot_general3A_5 {strides = array<i32>} : memref<1000x16xf32, #tpu.memory_space<vmem>>, vector<1000x16xf32>,
    return
  }
  func.func @transform_0(%arg0: i32) -> (i32, i32) {
    %c0_i32 = arith.constant 0 : i32
    %c0_i32_0 = arith.constant 0 : i32
    return %arg0, %c0_i32 : i32, i32
  }
  func.func @transform_1(%arg0: i32) -> (i32, i32) {
    %c0_i32 = arith.constant 0 : i32
    %c0_i32_0 = arith.constant 0 : i32
    %c0_i32_1 = arith.constant 0 : i32
    return %c0_i32, %c0_i32_0 : i32, i32
  }
  func.func @transform_2(%arg0: i32) -> (i32, i32) {
    %c0_i32 = arith.constant 0 : i32
    %c0_i32_0 = arith.constant 0 : i32
    return %arg0, %c0_i32 : i32, i32
  }
}

module attributes {stable_mosaic.version = 14 : i64} {
  func.func @_prep_body(%arg0: memref<2x10000x16xf32, #tpu.memory_space<vmem>>, %arg1: memref<10000x16xf32, #tpu.memory_space<vmem>>, %arg2: memref<10000x16xf32, #tpu.memory_space<vmem>>, %arg3: memref<10000x16xf32, #tpu.memory_space<vmem>>, %arg4: memref<10000x16xf32, #tpu.memory_space<vmem>>) attributes {dimension_semantics = [], scalar_prefetch = 0 : i64, scratch_operands = 0 : i64, tpu.core_type = #tpu.core_type<tc>} {
    %get3A = arith.constant 0 : index
    %get3A_0 = arith.constant 0 : index
    %get3A_1 = arith.constant 0 : index
    %get3A_2 = vector.load %arg0[%get3A, %get3A_0, %get3A_1] : memref<2x10000x16xf32, #tpu.memory_space<vmem>>, vector<1x10000x16xf32>
    %get3A_3 = vector.shape_cast %get3A_2 : vector<1x10000x16xf32> to vector<10000x16xf32>
    %get3A_4 = arith.constant 1 : index
    %get3A_5 = arith.constant 0 : index
    %get3A_6 = arith.constant 0 : index
    %get3A_7 = vector.load %arg0[%get3A_4, %get3A_5, %get3A_6] : memref<2x10000x16xf32, #tpu.memory_space<vmem>>, vector<1x10000x16xf32>
    %get3A_8 = vector.shape_cast %get3A_7 : vector<1x10000x16xf32> to vector<10000x16xf32>
    %add3A = arith.addf %get3A_3, %get3A_8 : vector<10000x16xf32>
    %add3A_9 = arith.constant 1.000000e+00 : f32
    %add3A_10 = vector.broadcast %add3A_9 : f32 to vector<10000x16xf32>
    %add3A_11 = arith.addf %add3A, %add3A_10 : vector<10000x16xf32>
    %rsqrt3A = math.rsqrt %add3A_11 : vector<10000x16xf32>
    %swap3A = arith.constant 0 : index
    %swap3A_12 = arith.constant 0 : index
    %swap3A_13 = vector.load %arg3[%swap3A, %swap3A_12] : memref<10000x16xf32, #tpu.memory_space<vmem>>, vector<10000x16xf32>
    tpu.vector_store %arg3[%swap3A, %swap3A_12], %rsqrt3A {strides = array<i32>} : memref<10000x16xf32, #tpu.memory_space<vmem>>, vector<10000x16xf32>,
    %div3A = arith.constant 1.000000e+00 : f32
    %div3A_14 = vector.broadcast %div3A : f32 to vector<10000x16xf32>
    %div3A_15 = arith.divf %div3A_14, %add3A_11 : vector<10000x16xf32>
    %swap3A_16 = arith.constant 0 : index
    %swap3A_17 = arith.constant 0 : index
    %swap3A_18 = vector.load %arg4[%swap3A_16, %swap3A_17] : memref<10000x16xf32, #tpu.memory_space<vmem>>, vector<10000x16xf32>
    tpu.vector_store %arg4[%swap3A_16, %swap3A_17], %div3A_15 {strides = array<i32>} : memref<10000x16xf32, #tpu.memory_space<vmem>>, vector<10000x16xf32>,
    %get3A_19 = arith.constant 0 : index
    %get3A_20 = arith.constant 0 : index
    %get3A_21 = vector.load %arg1[%get3A_19, %get3A_20] : memref<10000x16xf32, #tpu.memory_space<vmem>>, vector<10000x16xf32>
    %mul3A = arith.mulf %get3A_21, %rsqrt3A : vector<10000x16xf32>
    %swap3A_22 = arith.constant 0 : index
    %swap3A_23 = arith.constant 0 : index
    %swap3A_24 = vector.load %arg2[%swap3A_22, %swap3A_23] : memref<10000x16xf32, #tpu.memory_space<vmem>>, vector<10000x16xf32>
    tpu.vector_store %arg2[%swap3A_22, %swap3A_23], %mul3A {strides = array<i32>} : memref<10000x16xf32, #tpu.memory_space<vmem>>, vector<10000x16xf32>,
    return
  }
}

module attributes {stable_mosaic.version = 14 : i64} {
  func.func @_post1_body(%arg0: memref<2x10000x16xf32, #tpu.memory_space<vmem>>, %arg1: memref<10000x16xf32, #tpu.memory_space<vmem>>, %arg2: memref<10000x16xf32, #tpu.memory_space<vmem>>, %arg3: memref<10000x16xf32, #tpu.memory_space<vmem>>, %arg4: memref<1x16xf32, #tpu.memory_space<vmem>>, %arg5: memref<1x16xf32, #tpu.memory_space<vmem>>, %arg6: memref<1x16xf32, #tpu.memory_space<vmem>>, %arg7: memref<16x16xf32, #tpu.memory_space<vmem>>, %arg8: memref<10000x16xf32, #tpu.memory_space<vmem>>, %arg9: memref<10000x16xf32, #tpu.memory_space<vmem>>, %arg10: memref<10000x16xf32, #tpu.memory_space<vmem>>) attributes {dimension_semantics = [], scalar_prefetch = 0 : i64, scratch_operands = 0 : i64, tpu.core_type = #tpu.core_type<tc>} {
    %get3A = arith.constant 0 : index
    %get3A_0 = arith.constant 0 : index
    %get3A_1 = arith.constant 0 : index
    %get3A_2 = vector.load %arg0[%get3A, %get3A_0, %get3A_1] : memref<2x10000x16xf32, #tpu.memory_space<vmem>>, vector<1x10000x16xf32>
    %get3A_3 = vector.shape_cast %get3A_2 : vector<1x10000x16xf32> to vector<10000x16xf32>
    %get3A_4 = arith.constant 1 : index
    %get3A_5 = arith.constant 0 : index
    %get3A_6 = arith.constant 0 : index
    %get3A_7 = vector.load %arg0[%get3A_4, %get3A_5, %get3A_6] : memref<2x10000x16xf32, #tpu.memory_space<vmem>>, vector<1x10000x16xf32>
    %get3A_8 = vector.shape_cast %get3A_7 : vector<1x10000x16xf32> to vector<10000x16xf32>
    %add3A = arith.addf %get3A_3, %get3A_8 : vector<10000x16xf32>
    %get3A_9 = arith.constant 0 : index
    %get3A_10 = arith.constant 0 : index
    %get3A_11 = vector.load %arg2[%get3A_9, %get3A_10] : memref<10000x16xf32, #tpu.memory_space<vmem>>, vector<10000x16xf32>
    %mul3A = arith.mulf %add3A, %get3A_11 : vector<10000x16xf32>
    %get3A_12 = arith.constant 0 : index
    %get3A_13 = arith.constant 0 : index
    %get3A_14 = vector.load %arg1[%get3A_12, %get3A_13] : memref<10000x16xf32, #tpu.memory_space<vmem>>, vector<10000x16xf32>
    %get3A_15 = arith.constant 0 : index
    %get3A_16 = arith.constant 0 : index
    %get3A_17 = vector.load %arg3[%get3A_15, %get3A_16] : memref<10000x16xf32, #tpu.memory_space<vmem>>, vector<10000x16xf32>
    %mul3A_18 = arith.mulf %get3A_14, %get3A_17 : vector<10000x16xf32>
    %add3A_19 = arith.addf %mul3A, %mul3A_18 : vector<10000x16xf32>
    %get3A_20 = arith.constant 0 : index
    %get3A_21 = arith.constant 0 : index
    %get3A_22 = vector.load %arg4[%get3A_20, %get3A_21] : memref<1x16xf32, #tpu.memory_space<vmem>>, vector<1x16xf32>
    %add3A_23 = vector.broadcast %get3A_22 : vector<1x16xf32> to vector<10000x16xf32>
    %add3A_24 = arith.addf %add3A_19, %add3A_23 : vector<10000x16xf32>
    %get3A_25 = arith.constant 0 : index
    %get3A_26 = arith.constant 0 : index
    %get3A_27 = vector.load %arg5[%get3A_25, %get3A_26] : memref<1x16xf32, #tpu.memory_space<vmem>>, vector<1x16xf32>
    %get3A_28 = arith.constant 0 : index
    %get3A_29 = arith.constant 0 : index
    %get3A_30 = vector.load %arg6[%get3A_28, %get3A_29] : memref<1x16xf32, #tpu.memory_space<vmem>>, vector<1x16xf32>
    %reduce_sum3A = arith.constant dense<0.000000e+00> : vector<10000xf32>
    %reduce_sum3A_31 = vector.multi_reduction <add>, %add3A_24, %reduce_sum3A [1] : vector<10000x16xf32> to vector<10000xf32>
    %broadcast_in_dim3A = vector.shape_cast %reduce_sum3A_31 : vector<10000xf32> to vector<10000x1xf32>
    %div3A = arith.constant 1.600000e+01 : f32
    %div3A_32 = vector.broadcast %div3A : f32 to vector<10000x1xf32>
    %div3A_33 = arith.divf %broadcast_in_dim3A, %div3A_32 : vector<10000x1xf32>
    %sub3A = vector.broadcast %div3A_33 : vector<10000x1xf32> to vector<10000x16xf32>
    %sub3A_34 = arith.subf %add3A_24, %sub3A : vector<10000x16xf32>
    %sub3A_35 = vector.broadcast %div3A_33 : vector<10000x1xf32> to vector<10000x16xf32>
    %sub3A_36 = arith.subf %add3A_24, %sub3A_35 : vector<10000x16xf32>
    %mul3A_37 = arith.mulf %sub3A_34, %sub3A_36 : vector<10000x16xf32>
    %reduce_sum3A_38 = arith.constant dense<0.000000e+00> : vector<10000xf32>
    %reduce_sum3A_39 = vector.multi_reduction <add>, %mul3A_37, %reduce_sum3A_38 [1] : vector<10000x16xf32> to vector<10000xf32>
    %broadcast_in_dim3A_40 = vector.shape_cast %reduce_sum3A_39 : vector<10000xf32> to vector<10000x1xf32>
    %div3A_41 = arith.constant 1.600000e+01 : f32
    %div3A_42 = vector.broadcast %div3A_41 : f32 to vector<10000x1xf32>
    %div3A_43 = arith.divf %broadcast_in_dim3A_40, %div3A_42 : vector<10000x1xf32>
    %sub3A_44 = vector.broadcast %div3A_33 : vector<10000x1xf32> to vector<10000x16xf32>
    %sub3A_45 = arith.subf %add3A_24, %sub3A_44 : vector<10000x16xf32>
    %add3A_46 = arith.constant 9.99999974E-6 : f32
    %add3A_47 = vector.broadcast %add3A_46 : f32 to vector<10000x1xf32>
    %add3A_48 = arith.addf %div3A_43, %add3A_47 : vector<10000x1xf32>
    %rsqrt3A = math.rsqrt %add3A_48 : vector<10000x1xf32>
    %mul3A_49 = vector.broadcast %rsqrt3A : vector<10000x1xf32> to vector<10000x16xf32>
    %mul3A_50 = arith.mulf %sub3A_45, %mul3A_49 : vector<10000x16xf32>
    %mul3A_51 = vector.broadcast %get3A_27 : vector<1x16xf32> to vector<10000x16xf32>
    %mul3A_52 = arith.mulf %mul3A_50, %mul3A_51 : vector<10000x16xf32>
    %add3A_53 = vector.broadcast %get3A_30 : vector<1x16xf32> to vector<10000x16xf32>
    %add3A_54 = arith.addf %mul3A_52, %add3A_53 : vector<10000x16xf32>
    %max3A = arith.constant 0.000000e+00 : f32
    %max3A_55 = vector.broadcast %max3A : f32 to vector<10000x16xf32>
    %max3A_56 = arith.maximumf %add3A_54, %max3A_55 : vector<10000x16xf32>
    %swap3A = arith.constant 0 : index
    %swap3A_57 = arith.constant 0 : index
    %swap3A_58 = vector.load %arg8[%swap3A, %swap3A_57] : memref<10000x16xf32, #tpu.memory_space<vmem>>, vector<10000x16xf32>
    tpu.vector_store %arg8[%swap3A, %swap3A_57], %max3A_56 {strides = array<i32>} : memref<10000x16xf32, #tpu.memory_space<vmem>>, vector<10000x16xf32>,
    %get3A_59 = arith.constant 0 : index
    %get3A_60 = arith.constant 0 : index
    %get3A_61 = vector.load %arg7[%get3A_59, %get3A_60] : memref<16x16xf32, #tpu.memory_space<vmem>>, vector<16x16xf32>
    %dot_general3A = arith.constant dense<0.000000e+00> : vector<10000x16xf32>
    %dot_general3A_62 = tpu.matmul %max3A_56, %get3A_61, %dot_general3A {dimension_numbers = #tpu.dot_dimension_numbers<[1], [0], [0], [1], [0, 0, 1, 1], [], []>, transpose_lhs_hint = false} : vector<10000x16xf32>, vector<16x16xf32>, vector<10000x16xf32> -> vector<10000x16xf32>
    %swap3A_63 = arith.constant 0 : index
    %swap3A_64 = arith.constant 0 : index
    %swap3A_65 = vector.load %arg9[%swap3A_63, %swap3A_64] : memref<10000x16xf32, #tpu.memory_space<vmem>>, vector<10000x16xf32>
    tpu.vector_store %arg9[%swap3A_63, %swap3A_64], %dot_general3A_62 {strides = array<i32>} : memref<10000x16xf32, #tpu.memory_space<vmem>>, vector<10000x16xf32>,
    %get3A_66 = arith.constant 0 : index
    %get3A_67 = arith.constant 0 : index
    %get3A_68 = vector.load %arg2[%get3A_66, %get3A_67] : memref<10000x16xf32, #tpu.memory_space<vmem>>, vector<10000x16xf32>
    %mul3A_69 = arith.mulf %dot_general3A_62, %get3A_68 : vector<10000x16xf32>
    %swap3A_70 = arith.constant 0 : index
    %swap3A_71 = arith.constant 0 : index
    %swap3A_72 = vector.load %arg10[%swap3A_70, %swap3A_71] : memref<10000x16xf32, #tpu.memory_space<vmem>>, vector<10000x16xf32>
    tpu.vector_store %arg10[%swap3A_70, %swap3A_71], %mul3A_69 {strides = array<i32>} : memref<10000x16xf32, #tpu.memory_space<vmem>>, vector<10000x16xf32>,
    return
  }
}

module attributes {stable_mosaic.version = 14 : i64} {
  func.func @_final_body(%arg0: i32, %arg1: memref<2x1000x16xf32, #tpu.memory_space<vmem>>, %arg2: memref<1000x16xf32, #tpu.memory_space<vmem>>, %arg3: memref<1000x16xf32, #tpu.memory_space<vmem>>, %arg4: memref<1000x16xf32, #tpu.memory_space<vmem>>, %arg5: memref<1x16xf32, #tpu.memory_space<vmem>>, %arg6: memref<1x16xf32, #tpu.memory_space<vmem>>, %arg7: memref<1x16xf32, #tpu.memory_space<vmem>>, %arg8: memref<1000x128xf32, #tpu.memory_space<vmem>>, %arg9: memref<1000x16xf32, #tpu.memory_space<vmem>>, %arg10: memref<128x128xf32, #tpu.memory_space<vmem>>, %arg11: memref<16x128xf32, #tpu.memory_space<vmem>>, %arg12: memref<16x128xf32, #tpu.memory_space<vmem>>, %arg13: memref<1x128xf32, #tpu.memory_space<vmem>>, %arg14: memref<1000x128xf32, #tpu.memory_space<vmem>>) attributes {dimension_semantics = [#tpu.dimension_semantics<arbitrary>], iteration_bounds = array<i64: 10>, scalar_prefetch = 0 : i64, scratch_operands = 0 : i64, tpu.core_type = #tpu.core_type<tc>, window_params = [{transform_indices = @transform_0, window_bounds = array<i64: 2, 1000, 16>}, {transform_indices = @transform_1, window_bounds = array<i64: 1000, 16>}, {transform_indices = @transform_2, window_bounds = array<i64: 1000, 16>}, {transform_indices = @transform_3, window_bounds = array<i64: 1000, 16>}, {pipeline_mode = #tpu.pipeline_mode<synchronous>, transform_indices = @transform_4, window_bounds = array<i64: 1, 16>}, {pipeline_mode = #tpu.pipeline_mode<synchronous>, transform_indices = @transform_5, window_bounds = array<i64: 1, 16>}, {pipeline_mode = #tpu.pipeline_mode<synchronous>, transform_indices = @transform_6, window_bounds = array<i64: 1, 16>}, {transform_indices = @transform_7, window_bounds = array<i64: 1000, 128>}, {transform_indices = @transform_8, window_bounds = array<i64: 1000, 16>}, {pipeline_mode = #tpu.pipeline_mode<synchronous>, transform_indices = @transform_9, window_bounds = array<i64: 128, 128>}, {pipeline_mode = #tpu.pipeline_mode<synchronous>, transform_indices = @transform_10, window_bounds = array<i64: 16, 128>}, {pipeline_mode = #tpu.pipeline_mode<synchronous>, transform_indices = @transform_11, window_bounds = array<i64: 16, 128>}, {pipeline_mode = #tpu.pipeline_mode<synchronous>, transform_indices = @transform_12, window_bounds = array<i64: 1, 128>}, {transform_indices = @transform_13, window_bounds = array<i64: 1000, 128>}]} {
    %get3A = arith.constant 0 : index
    %get3A_0 = arith.constant 0 : index
    %get3A_1 = arith.constant 0 : index
    %get3A_2 = vector.load %arg1[%get3A, %get3A_0, %get3A_1] : memref<2x1000x16xf32, #tpu.memory_space<vmem>>, vector<1x1000x16xf32>
    %get3A_3 = vector.shape_cast %get3A_2 : vector<1x1000x16xf32> to vector<1000x16xf32>
    %get3A_4 = arith.constant 1 : index
    %get3A_5 = arith.constant 0 : index
    %get3A_6 = arith.constant 0 : index
    %get3A_7 = vector.load %arg1[%get3A_4, %get3A_5, %get3A_6] : memref<2x1000x16xf32, #tpu.memory_space<vmem>>, vector<1x1000x16xf32>
    %get3A_8 = vector.shape_cast %get3A_7 : vector<1x1000x16xf32> to vector<1000x16xf32>
    %add3A = arith.addf %get3A_3, %get3A_8 : vector<1000x16xf32>
    %get3A_9 = arith.constant 0 : index
    %get3A_10 = arith.constant 0 : index
    %get3A_11 = vector.load %arg3[%get3A_9, %get3A_10] : memref<1000x16xf32, #tpu.memory_space<vmem>>, vector<1000x16xf32>
    %mul3A = arith.mulf %add3A, %get3A_11 : vector<1000x16xf32>
    %get3A_12 = arith.constant 0 : index
    %get3A_13 = arith.constant 0 : index
    %get3A_14 = vector.load %arg2[%get3A_12, %get3A_13] : memref<1000x16xf32, #tpu.memory_space<vmem>>, vector<1000x16xf32>
    %get3A_15 = arith.constant 0 : index
    %get3A_16 = arith.constant 0 : index
    %get3A_17 = vector.load %arg4[%get3A_15, %get3A_16] : memref<1000x16xf32, #tpu.memory_space<vmem>>, vector<1000x16xf32>
    %mul3A_18 = arith.mulf %get3A_14, %get3A_17 : vector<1000x16xf32>
    %add3A_19 = arith.addf %mul3A, %mul3A_18 : vector<1000x16xf32>
    %get3A_20 = arith.constant 0 : index
    %get3A_21 = arith.constant 0 : index
    %get3A_22 = vector.load %arg5[%get3A_20, %get3A_21] : memref<1x16xf32, #tpu.memory_space<vmem>>, vector<1x16xf32>
    %add3A_23 = vector.broadcast %get3A_22 : vector<1x16xf32> to vector<1000x16xf32>
    %add3A_24 = arith.addf %add3A_19, %add3A_23 : vector<1000x16xf32>
    %get3A_25 = arith.constant 0 : index
    %get3A_26 = arith.constant 0 : index
    %get3A_27 = vector.load %arg6[%get3A_25, %get3A_26] : memref<1x16xf32, #tpu.memory_space<vmem>>, vector<1x16xf32>
    %get3A_28 = arith.constant 0 : index
    %get3A_29 = arith.constant 0 : index
    %get3A_30 = vector.load %arg7[%get3A_28, %get3A_29] : memref<1x16xf32, #tpu.memory_space<vmem>>, vector<1x16xf32>
    %reduce_sum3A = arith.constant dense<0.000000e+00> : vector<1000xf32>
    %reduce_sum3A_31 = vector.multi_reduction <add>, %add3A_24, %reduce_sum3A [1] : vector<1000x16xf32> to vector<1000xf32>
    %broadcast_in_dim3A = vector.shape_cast %reduce_sum3A_31 : vector<1000xf32> to vector<1000x1xf32>
    %div3A = arith.constant 1.600000e+01 : f32
    %div3A_32 = vector.broadcast %div3A : f32 to vector<1000x1xf32>
    %div3A_33 = arith.divf %broadcast_in_dim3A, %div3A_32 : vector<1000x1xf32>
    %sub3A = vector.broadcast %div3A_33 : vector<1000x1xf32> to vector<1000x16xf32>
    %sub3A_34 = arith.subf %add3A_24, %sub3A : vector<1000x16xf32>
    %sub3A_35 = vector.broadcast %div3A_33 : vector<1000x1xf32> to vector<1000x16xf32>
    %sub3A_36 = arith.subf %add3A_24, %sub3A_35 : vector<1000x16xf32>
    %mul3A_37 = arith.mulf %sub3A_34, %sub3A_36 : vector<1000x16xf32>
    %reduce_sum3A_38 = arith.constant dense<0.000000e+00> : vector<1000xf32>
    %reduce_sum3A_39 = vector.multi_reduction <add>, %mul3A_37, %reduce_sum3A_38 [1] : vector<1000x16xf32> to vector<1000xf32>
    %broadcast_in_dim3A_40 = vector.shape_cast %reduce_sum3A_39 : vector<1000xf32> to vector<1000x1xf32>
    %div3A_41 = arith.constant 1.600000e+01 : f32
    %div3A_42 = vector.broadcast %div3A_41 : f32 to vector<1000x1xf32>
    %div3A_43 = arith.divf %broadcast_in_dim3A_40, %div3A_42 : vector<1000x1xf32>
    %sub3A_44 = vector.broadcast %div3A_33 : vector<1000x1xf32> to vector<1000x16xf32>
    %sub3A_45 = arith.subf %add3A_24, %sub3A_44 : vector<1000x16xf32>
    %add3A_46 = arith.constant 9.99999974E-6 : f32
    %add3A_47 = vector.broadcast %add3A_46 : f32 to vector<1000x1xf32>
    %add3A_48 = arith.addf %div3A_43, %add3A_47 : vector<1000x1xf32>
    %rsqrt3A = math.rsqrt %add3A_48 : vector<1000x1xf32>
    %mul3A_49 = vector.broadcast %rsqrt3A : vector<1000x1xf32> to vector<1000x16xf32>
    %mul3A_50 = arith.mulf %sub3A_45, %mul3A_49 : vector<1000x16xf32>
    %mul3A_51 = vector.broadcast %get3A_27 : vector<1x16xf32> to vector<1000x16xf32>
    %mul3A_52 = arith.mulf %mul3A_50, %mul3A_51 : vector<1000x16xf32>
    %add3A_53 = vector.broadcast %get3A_30 : vector<1x16xf32> to vector<1000x16xf32>
    %add3A_54 = arith.addf %mul3A_52, %add3A_53 : vector<1000x16xf32>
    %max3A = arith.constant 0.000000e+00 : f32
    %max3A_55 = vector.broadcast %max3A : f32 to vector<1000x16xf32>
    %max3A_56 = arith.maximumf %add3A_54, %max3A_55 : vector<1000x16xf32>
    %get3A_57 = arith.constant 0 : index
    %get3A_58 = arith.constant 0 : index
    %get3A_59 = vector.load %arg8[%get3A_57, %get3A_58] : memref<1000x128xf32, #tpu.memory_space<vmem>>, vector<1000x128xf32>
    %get3A_60 = arith.constant 0 : index
    %get3A_61 = arith.constant 0 : index
    %get3A_62 = vector.load %arg10[%get3A_60, %get3A_61] : memref<128x128xf32, #tpu.memory_space<vmem>>, vector<128x128xf32>
    %dot_general3A = arith.constant dense<0.000000e+00> : vector<1000x128xf32>
    %dot_general3A_63 = tpu.matmul %get3A_59, %get3A_62, %dot_general3A {dimension_numbers = #tpu.dot_dimension_numbers<[1], [0], [0], [1], [0, 0, 1, 1], [], []>, transpose_lhs_hint = false} : vector<1000x128xf32>, vector<128x128xf32>, vector<1000x128xf32> -> vector<1000x128xf32>
    %get3A_64 = arith.constant 0 : index
    %get3A_65 = arith.constant 0 : index
    %get3A_66 = vector.load %arg9[%get3A_64, %get3A_65] : memref<1000x16xf32, #tpu.memory_space<vmem>>, vector<1000x16xf32>
    %get3A_67 = arith.constant 0 : index
    %get3A_68 = arith.constant 0 : index
    %get3A_69 = vector.load %arg11[%get3A_67, %get3A_68] : memref<16x128xf32, #tpu.memory_space<vmem>>, vector<16x128xf32>
    %dot_general3A_70 = arith.constant dense<0.000000e+00> : vector<1000x128xf32>
    %dot_general3A_71 = tpu.matmul %get3A_66, %get3A_69, %dot_general3A_70 {dimension_numbers = #tpu.dot_dimension_numbers<[1], [0], [0], [1], [0, 0, 1, 1], [], []>, transpose_lhs_hint = false} : vector<1000x16xf32>, vector<16x128xf32>, vector<1000x128xf32> -> vector<1000x128xf32>
    %add3A_72 = arith.addf %dot_general3A_63, %dot_general3A_71 : vector<1000x128xf32>
    %get3A_73 = arith.constant 0 : index
    %get3A_74 = arith.constant 0 : index
    %get3A_75 = vector.load %arg12[%get3A_73, %get3A_74] : memref<16x128xf32, #tpu.memory_space<vmem>>, vector<16x128xf32>
    %dot_general3A_76 = arith.constant dense<0.000000e+00> : vector<1000x128xf32>
    %dot_general3A_77 = tpu.matmul %max3A_56, %get3A_75, %dot_general3A_76 {dimension_numbers = #tpu.dot_dimension_numbers<[1], [0], [0], [1], [0, 0, 1, 1], [], []>, transpose_lhs_hint = false} : vector<1000x16xf32>, vector<16x128xf32>, vector<1000x128xf32> -> vector<1000x128xf32>
    %add3A_78 = arith.addf %add3A_72, %dot_general3A_77 : vector<1000x128xf32>
    %get3A_79 = arith.constant 0 : index
    %get3A_80 = arith.constant 0 : index
    %get3A_81 = vector.load %arg13[%get3A_79, %get3A_80] : memref<1x128xf32, #tpu.memory_space<vmem>>, vector<1x128xf32>
    %add3A_82 = vector.broadcast %get3A_81 : vector<1x128xf32> to vector<1000x128xf32>
    %add3A_83 = arith.addf %add3A_78, %add3A_82 : vector<1000x128xf32>
    %swap3A = arith.constant 0 : index
    %swap3A_84 = arith.constant 0 : index
    %swap3A_85 = vector.load %arg14[%swap3A, %swap3A_84] : memref<1000x128xf32, #tpu.memory_space<vmem>>, vector<1000x128xf32>
    tpu.vector_store %arg14[%swap3A, %swap3A_84], %add3A_83 {strides = array<i32>} : memref<1000x128xf32, #tpu.memory_space<vmem>>, vector<1000x128xf32>,
    return
  }
  func.func @transform_0(%arg0: i32) -> (i32, i32, i32) {
    %c0_i32 = arith.constant 0 : i32
    %c0_i32_0 = arith.constant 0 : i32
    %c0_i32_1 = arith.constant 0 : i32
    return %c0_i32, %arg0, %c0_i32_0 : i32, i32, i32
  }
  func.func @transform_1(%arg0: i32) -> (i32, i32) {
    %c0_i32 = arith.constant 0 : i32
    %c0_i32_0 = arith.constant 0 : i32
    return %arg0, %c0_i32 : i32, i32
  }
  func.func @transform_2(%arg0: i32) -> (i32, i32) {
    %c0_i32 = arith.constant 0 : i32
    %c0_i32_0 = arith.constant 0 : i32
    return %arg0, %c0_i32 : i32, i32
  }
  func.func @transform_3(%arg0: i32) -> (i32, i32) {
    %c0_i32 = arith.constant 0 : i32
    %c0_i32_0 = arith.constant 0 : i32
    return %arg0, %c0_i32 : i32, i32
  }
  func.func @transform_4(%arg0: i32) -> (i32, i32) {
    %c0_i32 = arith.constant 0 : i32
    %c0_i32_0 = arith.constant 0 : i32
    %c0_i32_1 = arith.constant 0 : i32
    return %c0_i32, %c0_i32_0 : i32, i32
  }
  func.func @transform_5(%arg0: i32) -> (i32, i32) {
    %c0_i32 = arith.constant 0 : i32
    %c0_i32_0 = arith.constant 0 : i32
    %c0_i32_1 = arith.constant 0 : i32
    return %c0_i32, %c0_i32_0 : i32, i32
  }
  func.func @transform_6(%arg0: i32) -> (i32, i32) {
    %c0_i32 = arith.constant 0 : i32
    %c0_i32_0 = arith.constant 0 : i32
    %c0_i32_1 = arith.constant 0 : i32
    return %c0_i32, %c0_i32_0 : i32, i32
  }
  func.func @transform_7(%arg0: i32) -> (i32, i32) {
    %c0_i32 = arith.constant 0 : i32
    %c0_i32_0 = arith.constant 0 : i32
    return %arg0, %c0_i32 : i32, i32
  }
  func.func @transform_8(%arg0: i32) -> (i32, i32) {
    %c0_i32 = arith.constant 0 : i32
    %c0_i32_0 = arith.constant 0 : i32
    return %arg0, %c0_i32 : i32, i32
  }
  func.func @transform_9(%arg0: i32) -> (i32, i32) {
    %c0_i32 = arith.constant 0 : i32
    %c0_i32_0 = arith.constant 0 : i32
    %c0_i32_1 = arith.constant 0 : i32
    return %c0_i32, %c0_i32_0 : i32, i32
  }
  func.func @transform_10(%arg0: i32) -> (i32, i32) {
    %c0_i32 = arith.constant 0 : i32
    %c0_i32_0 = arith.constant 0 : i32
    %c0_i32_1 = arith.constant 0 : i32
    return %c0_i32, %c0_i32_0 : i32, i32
  }
  func.func @transform_11(%arg0: i32) -> (i32, i32) {
    %c0_i32 = arith.constant 0 : i32
    %c0_i32_0 = arith.constant 0 : i32
    %c0_i32_1 = arith.constant 0 : i32
    return %c0_i32, %c0_i32_0 : i32, i32
  }
  func.func @transform_12(%arg0: i32) -> (i32, i32) {
    %c0_i32 = arith.constant 0 : i32
    %c0_i32_0 = arith.constant 0 : i32
    %c0_i32_1 = arith.constant 0 : i32
    return %c0_i32, %c0_i32_0 : i32, i32
  }
  func.func @transform_13(%arg0: i32) -> (i32, i32) {
    %c0_i32 = arith.constant 0 : i32
    %c0_i32_0 = arith.constant 0 : i32
    return %arg0, %c0_i32 : i32, i32
  }
}

</mosaic_0001>

<sc_bundles>
// kernel: kernel.12.cloned.1.call-start
scs
__scs_entry_jumppad:
0x0: {  	(pc) =	sbr.rel $0x88, $3  }
0x1: {  	(tag) =	ssettag $0x0;
	lr =	simm.s32 $0x1  }
0x2: {  	[smem:$0x3F95] =	sst lr;
	_ =	strace $0xD0000000  }
0x3: {  	_ = 	snop  }
0x4: {  	_ = 	snop  }
0x5: {  	_ = 	snop  }
0x6: {  	_ = 	snop  }
0x7: {  	_ = 	snop  }
__scs_overlays_trampoline_lowered:
0x8: {  	[smem:$0x3FA4] =	sst s0  }
0x9: {  	[smem:$0x3FA5] =	sst s1  }
0xa: {  	[smem:$0x3FA6] =	sst s2  }
0xb: {  	[smem:$0x3FA7] =	sst s3  }
0xc: {  	[smem:$0x3FA8] =	sst s4  }
0xd: {  	[smem:$0x3FA9] =	sst s5  }
0xe: {  	[smem:$0x3FAA] =	sst s6  }
0xf: {  	[smem:$0x3FAB] =	sst s7  }
0x10: {  	[smem:$0x3FAC] =	sst s8  }
0x11: {  	[smem:$0x3FAD] =	sst s9;
	s0 =	simm.s32 @!p0 $0x0  }
0x12: {  	s1 =	sld [smem:$0x3F93];
	s0 =	simm.s32 @p0 $0x1  }
0x13: {  	[smem:$0x3FAE] =	sst s0;
	s0 =	simm.s32 @!p1 $0x0  }
0x14: {  	s2 =	sld [smem:$0x3F92];
	s0 =	simm.s32 @p1 $0x1  }
0x15: {  	[smem:$0x3FAF] =	sst s0;
	s0 =	simm.s32 @!p2 $0x0  }
0x16: {  	s3 =	sld [smem:$0x3FDB];
	s0 =	simm.s32 @p2 $0x1  }
0x17: {  	s4 =	simm.s32 $0x1BF5;
	[smem:$0x3FB1] =	sst s0  }
0x18: {  	s0 =	sld [smem:$0x3F94];
	_ =	swait.ge [sflag:s4], $0x0  }
0x19: {  	s7 =	sld [smem:$0x3F95]  }
0x1a: {  	s8 =	sadd.s32 $0xFFFFE003, lr  }
0x1b: {  	s9 =	sadd.s32 $0xFFFFFEF7, lr;
	s5 =	simm.s32 $0xFFFFFFFF;
	p2 =	slt.u32 s8, $0xFFFFF086  }
0x1c: {  	p1 =	slt.u32 s9, $0xF7A;
	s5 =	simm.s32 @!p2 $0x0  }
0x1d: {  	s5 =	simm.s32 @p1 $0x1;
	p0 =	seq.s32 s7, s2  }
0x1e: {  	s7 =	smul.u32 @!p0 $0xF7A, s2;
	p2 =	seq.s32 @!p0 s5, $0x0  }
0x1f: {  	s9 =	smul.u32 $0xF7A, s1;
	s8 =	simm.s32 @!p0 $0x1BF5;
	p2 =	por !p2, p0  }
0x20: {  	[sflag:s8] =	ssyncset.s32 @!p0 $0xFFFFF086;
	s6 =	sadd.s32 @!p0 s3, s7;
	s7 =	simm.s32 @!p0 $0x108  }
0x21: {  	s3 =	sadd.s32 s3, s9;
	s6 =	sadd.s32 @!p0 $0x88, s6;
	s7 =	simm.s32 @p2 $0x1082  }
0x22: {  	[simem:s7], [sflag:s8] =	dma.local @!p0 [hbm:s6], $0xF7A  }
0x23: {  	s9 =	sor.u32 $0xD0000000, s2;
	s6 =	simm.s32 $0x108;
	_ =	swait.ge @!p0 [sflag:s8], $0x0  }
0x24: {  	s3 =	sadd.s32 $0x88, s3;
	s6 =	simm.s32 @!p1 $0x1082;
	[sflag:s4] =	ssyncset.s32 $0xFFFFF086  }
0x25: {  	[simem:s6], [sflag:s4] =	dma.local [hbm:s3], $0xF7A  }
0x26: {  	[smem:$0x3F95] =	sst s1;
	(tag) =	ssettag s2;
	_ =	strace s9  }
0x27: {  	s1 =	sld [smem:$0x3FA5]  }
0x28: {  	s2 =	sld [smem:$0x3FA6]  }
0x29: {  	s4 =	sld [smem:$0x3FA8]  }
0x2a: {  	p0 =	seq.s32 s5, $0x0;
	s5 =	sld [smem:$0x3FA9]  }
0x2b: {  	s6 =	sld [smem:$0x3FAA]  }
0x2c: {  	s7 =	sld [smem:$0x3FAB]  }
0x2d: {  	s3 =	simm.s32 $0x108;
	s8 =	sld [smem:$0x3FAC]  }
0x2e: {  	s3 =	simm.s32 @!p0 $0x1082;
	s9 =	sld [smem:$0x3FAD]  }
0x2f: {  	lr =	sadd.s32 s0, s3;
	s0 =	sld [smem:$0x3FA4]  }
0x30: {  	s3 =	sld [smem:$0x3FA7]  }
0x31: {  	[smem:$0x3FB0] =	sst s10  }
0x32: {  	s10 =	sld [smem:$0x3FAE];
	_ =	sdelay $0x3  }
0x33: {  	p0 =	seq.s32 s10, $0x1;
	s10 =	sld [smem:$0x3FB0];
	_ =	sdelay $0x3  }
0x34: {  	[smem:$0x3FB0] =	sst s10  }
0x35: {  	s10 =	sld [smem:$0x3FAF];
	_ =	sdelay $0x3  }
0x36: {  	p1 =	seq.s32 s10, $0x1;
	s10 =	sld [smem:$0x3FB0];
	_ =	sdelay $0x3  }
0x37: {  	[smem:$0x3FB0] =	sst s10  }
0x38: {  	s10 =	sld [smem:$0x3FB1]  }
0x39: {  	_ = 	snop;
	(pc) =	sbr.ind lr, $3  }
0x3a: {  	_ = 	snop  }
0x3b: {  	_ = 	snop  }
0x3c: {  	p2 =	seq.s32 s10, $0x1;
	s10 =	sld [smem:$0x3FB0]  }
0x3d: {  	_ =	shalt  }
0x3e: {  	_ =	shalt  }
0x3f: {  	_ =	shalt  }
0x40: {  	_ =	shalt  }
0x41: {  	_ =	shalt  }
0x42: {  	_ =	shalt  }
0x43: {  	_ =	shalt  }
0x44: {  	_ =	shalt  }
0x45: {  	_ =	shalt  }
0x46: {  	_ =	shalt  }
0x47: {  	_ =	shalt  }
0x48: {  	_ =	shalt  }
0x49: {  	_ =	shalt  }
0x4a: {  	_ =	shalt  }
0x4b: {  	_ =	shalt  }
0x4c: {  	_ =	shalt  }
0x4d: {  	_ =	shalt  }
0x4e: {  	_ =	shalt  }
0x4f: {  	_ =	shalt  }
0x50: {  	_ =	shalt  }
0x51: {  	_ =	shalt  }
0x52: {  	_ =	shalt  }
0x53: {  	_ =	shalt  }
0x54: {  	_ =	shalt  }
0x55: {  	_ =	shalt  }
0x56: {  	_ =	shalt  }
0x57: {  	_ =	shalt  }
0x58: {  	_ =	shalt  }
0x59: {  	_ =	shalt  }
0x5a: {  	_ =	shalt  }
0x5b: {  	_ =	shalt  }
0x5c: {  	_ =	shalt  }
0x5d: {  	_ =	shalt  }
0x5e: {  	_ =	shalt  }
0x5f: {  	_ =	shalt  }
0x60: {  	_ =	shalt  }
0x61: {  	_ =	shalt  }
0x62: {  	_ =	shalt  }
0x63: {  	_ =	shalt  }
0x64: {  	_ =	shalt  }
0x65: {  	_ =	shalt  }
0x66: {  	_ =	shalt  }
0x67: {  	_ =	shalt  }
0x68: {  	_ =	shalt  }
0x69: {  	_ =	shalt  }
0x6a: {  	_ =	shalt  }
0x6b: {  	_ =	shalt  }
0x6c: {  	_ =	shalt  }
0x6d: {  	_ =	shalt  }
0x6e: {  	_ =	shalt  }
0x6f: {  	_ =	shalt  }
0x70: {  	_ =	shalt  }
0x71: {  	_ =	shalt  }
0x72: {  	_ =	shalt  }
0x73: {  	_ =	shalt  }
0x74: {  	_ =	shalt  }
0x75: {  	_ =	shalt  }
0x76: {  	_ =	shalt  }
0x77: {  	_ =	shalt  }
0x78: {  	_ =	shalt  }
0x79: {  	_ =	shalt  }
0x7a: {  	_ =	shalt  }
0x7b: {  	_ =	shalt  }
0x7c: {  	_ =	shalt  }
0x7d: {  	_ =	shalt  }
0x7e: {  	_ =	shalt  }
0x7f: {  	_ =	shalt  }
0x80: {  	_ =	shalt  }
0x81: {  	_ =	shalt  }
0x82: {  	_ =	shalt  }
0x83: {  	_ =	shalt  }
0x84: {  	_ =	shalt  }
0x85: {  	_ =	shalt  }
0x86: {  	_ =	shalt  }
0x87: {  	_ =	shalt  }
.Lfunc_end0:
.L_simem_size_0:
called_computation.1_lowered:
.L_overlay_start_0:
0x88: {  	s2 =	sld [smem:$0x3FD9]  }
0x89: {  	s3 =	sld [smem:$0x3FFE];
	_ =	sdelay $0x1  }
0x8a: {  	s1 =	srdreg.scid  }
0x8b: {  	s0 =	sand.u32 $0x1, s1  }
0x8c: {  	s16 =	sshll.u32 s0, $0xA;
	s2 =	sadd.s32 s3, s2  }
0x8d: {  	s2 =	sadd.s32 s2, s16  }
0x8e: {  	[smem:$0x3FBC] =	sst s2  }
0x8f: {  	_ = 	snop  }
0x90: {  	(tm) =	ssettm $0x1  }
0x91: {  	s17 =	sld [smem:$0x3FFB];
	_ =	sdelay $0x3  }
0x92: {  	_ =	strace s17  }
0x93: {  	s2 =	sld [smem:$0x3FFC];
	_ =	sdelay $0x3  }
0x94: {  	_ =	strace s2  }
0x95: {  	s2 =	sld [smem:$0x3FFD];
	_ =	sdelay $0x3  }
0x96: {  	_ =	strace s2  }
0x97: {  	_ =	strace $0x8FFFFFFF  }
0x98: {  	s18 =	sld [smem:$0x3FDB];
	_ =	sdelay $0x1  }
0x99: {  	s19 =	simm.s32 $_scs_section_size  }
0x9a: {  	s4 =	simm.s32 $_size__tile_overlayer_lowered;
	s5 =	simm.s32 $_tile_overlayer_lowered  }
0x9b: {  	s22 =	simm.s32 $0x1BFF;
	s21 =	sshll.u32 s5, $0x1;
	s2 =	sadd.s32 s19, s18  }
0x9c: {  	s6 =	simm.s32 $0x0;
	s20 =	sshll.u32 s4, $0x1;
	s4 =	sadd.s32 s21, s2  }
0x9d: {  	[timem:s6], [sflag:s22] =	dma.local [hbm:s4], s20  }
0x9e: {  	_ =	swait.ge [sflag:s22], s20  }
0x9f: {  	s3 =	ssub.s32 $0x0, s20;
	[sflag:s22] =	ssyncset.done $0x0  }
0xa0: {  	[sflag:s22] =	ssyncadd.s32 s3;
	_ =	sdelay $0x1  }
0xa1: {  	s23 =	simm.s32 $0x1B8B  }
0xa2: {  	_ =	swait.ge [sflag:s23], $0x1  }
0xa3: {  	[sflag:s23] =	ssyncset.done $0x0  }
0xa4: {  	s25 =	simm.s32 $0x1B8E;
	s24 =	sld [smem:$0x3FFE];
	[sflag:s23] =	ssyncadd.s32 $0xFFFFFFFF  }
0xa5: {  	s26 =	simm.s32 $execute0_lowered;
	[smem:$0x3FD2] =	sst s25  }
0xa6: {  	s4 =	sshll.u32 s26, $0x1;
	_ =	strace $0x80000049;
	[dreg:$0x1] =	wrdreg $0xFFFFFFFF  }
0xa7: {  	s28 =	simm.s32 $_size_execute0_lowered;
	s2 =	sadd.s32 s2, s4;
	[dreg:$0x0] =	wrdreg $0x0  }
0xa8: {  	s4 =	sshll.u32 s28, $0x1;
	[dreg:$0x2] =	wrdreg s2  }
0xa9: {  	[dreg:$0x3] =	wrdreg s4  }
0xaa: {  	[dreg:$0x4] =	wrdreg $0xC0  }
0xab: {  	_ =	task [dreg:s6], $0x5FFFF  }
0xac: {  	[dreg:$0x1] =	wrdreg $0xFFFFFFFF  }
0xad: {  	[dreg:$0x0] =	wrdreg $0x60  }
0xae: {  	[dreg:$0x2] =	wrdreg s24  }
0xaf: {  	[dreg:$0x3] =	wrdreg $0x7F800  }
0xb0: {  	[dreg:$0x4] =	wrdreg $0x9  }
0xb1: {  	_ =	task.clear_ibuf [dreg:s6], $0x5FFFF;
	_ =	strace $0x90000049  }
0xb2: {  	s29 =	simm.s32 $0x9;
	_ =	strace $0x8000004B  }
0xb3: {  	_ =	swait.ge [sflag:s29], $0x1  }
0xb4: {  	[sflag:s29] =	ssyncadd.s32 $0xFFFFFFFF  }
0xb5: {  	_ =	strace $0x9000004B  }
0xb6: {  	_ =	sfence  }
0xb7: {  	s30 =	sld [smem:$0x0];
	_ =	sdelay $0x2  }
0xb8: {  	s31 =	sshll.u32 s1, $0xD;
	s1 =	sshrl.u32 s1, $0x2  }
0xb9: {  	s3 =	sand.u32 $0x4000, s31;
	s1 =	sadd.s32 s1, s30  }
0xba: {  	s0 =	sor.u32 s3, s0;
	s1 =	sshll.u32 s1, $0x11  }
0xbb: {  	s0 =	sor.u32 s1, s0  }
0xbc: {  	s0 =	sadd.s32 $0x8F2B, s0  }
0xbd: {  	[sflag:s0] =	ssyncadd.remote.s32 $0x1  }
0xbe: {  	_ =	sfence.sel $0xFFFF  }
0xbf: {  	[dreg:$0x0] =	wrdreg $0xFFFFFFFF;
	(pc) =	sbr.abs _section_cstart, $3  }
0xc0: {  	[dreg:$0x1] =	wrdreg $0xFFFFFFFF  }
0xc1: {  	_ =	task.clear_ibuf [dreg:s6], $0x2FFFF;
	_ =	strace $0x9FFFFFFF  }
0xc2: {  	(tm) =	ssettm $0x7FFFFFFF  }
0xc3: {  	_ =	shalt  }
tec
execute0_lowered:
.L_overlay_start_1:
0x0: {  	(tag) =	ssettag $0x1  }
0x1: {  	s5 =	rddreg [dreg:$0x0]  }
0x2: {  	s2 =	rddreg [dreg:$0x1]  }
0x3: {  	s0 =	rddreg [dreg:$0x2];
	s4 =	srdreg.scid  }
0x4: {  	s1 =	stileid.u32;
	s3 =	simm.s32 $0x0;
	s11 =	simm.s32 $0x2  }
0x5: {  	s12 =	simm.s32 $0x28A0;
	s13 =	simm.s32 $0x64;
	s14 =	simm.s32 $0x5140  }
0x6: {  	s15 =	simm.s32 $0x1;
	s16 =	simm.s32 $0x0;
	s4 =	sand.u32 $0x1, s4  }
0x7: {  	s6 =	smul.u32 $0x2800, s1;
	[smem:$0x7FF] =	sst s3;
	s7 =	sshll.u32 s4, $0x4  }
0x8: {  	s8 =	smul.u32 $0x28000, s4;
	_ =	strace $0x8000004A;
	s9 =	ssub.s32 $0x2, s4  }
0x9: {  	s4 =	sadd.s32 $0xE000, s5;
	s7 =	sor.u32 s1, s7;
	s10 =	sshrl.u32 s9, $0x1  }
0xa: {  	s7 =	smul.u32 $0x514, s7;
	s8 =	sadd.s32 s6, s8;
	s9 =	ssub.s32 s9, s10  }
0xb: {  	s10 =	simm.s32 $0x5780;
	s8 =	sshrl.u32 s8, $0x3;
	s9 =	smax.u32 s9, $0x1  }
0xc: {  	s7 =	sadd.s32 s7, s5;
	s8 =	sadd.s32 s8, s5;
	s5 =	sadd.s32 s6, s2  }
0xd: {  	v0 =	vimm.f32 $0.0e+00;
	s6 =	sadd.s32 $0x13000, s7;
	s7 =	sadd.s32 $0x3C00, s7;
	s8 =	sadd.s32 $0x44600, s8  }
.LBB2_1:
0xe: {  	s17 =	simm.s32 $0x40;
	s18 =	simm.s32 $0x0  }
.LBB2_2:
0xf: {  	p0 =	sne.s32 s17, $0x9FC0;
	[tilespmem:s18+$0x5780] =	vst v0;
	s18 =	smov.u32 s17;
	s17 =	sadd.s32 $0x40, s17  }
.Ltmp0:
0x10: {  	(pc) =	sbr.rel @p0 .LBB2_2-.Ltmp0, $2  }
0x11: {  	_ =	sdelay $0x2  }
0x12: {  	s18 =	sshra.s32 s18, $0x2  }
0x13: {  	[tilespmem:s18+$0x5780] =	vst v0  }
0x14: {  	[spmem:s5] =	stream.linear.scatter [tilespmem:s10], [sflag:$0x2], $0x2800, $0x38;
	[tilespmem:$0xA780] =	vst v63  }
0x15: {  	_ =	swait.ge [sflag:s11], $0x2800  }
0x16: {  	[sflag:s11] =	ssyncset.done $0x0  }
0x17: {  	s17 =	simm.s32 $0x0;
	[sflag:s11] =	ssyncadd.s32 $0xFFFFD800  }
0x18: {  	[tilespmem:s17], [sflag:$0x2] =	stream.linear.gather [hbm4b:s6+s17], $0x28A0, $0x38;
	[tilespmem:$0xA780] =	vst v63  }
0x19: {  	_ =	swait.ge [sflag:s11], $0x28A0  }
0x1a: {  	[sflag:s11] =	ssyncset.done $0x0  }
0x1b: {  	[sflag:s11] =	ssyncadd.s32 $0xFFFFD760  }
0x1c: {  	[tilespmem:s12], [sflag:$0x2] =	stream.linear.gather [hbm4b:s7+s17], $0x28A0, $0x38;
	[tilespmem:$0xA780] =	vst v63  }
0x1d: {  	_ =	swait.ge [sflag:s11], $0x28A0  }
0x1e: {  	[sflag:s11] =	ssyncset.done $0x0  }
0x1f: {  	[sflag:s11] =	ssyncadd.s32 $0xFFFFD760  }
0x20: {  	s30 =	simm.s32 $0x0;
	[bflag:$0x0] =	sbarrier.arrive $0xFFFF  }
0x21: {  	[tilespmem:s14], [sflag:$0x1] =	stream.indirect.gather [hbm4b:s4+s13], $0x10, s30, s13, $0xb8;
	[tilespmem:$0xA780] =	vst v63  }
0x22: {  	_ =	swait.ge [sflag:s15], $0x640  }
0x23: {  	[sflag:s15] =	ssyncset.done $0x0  }
0x24: {  	s31 =	simm.s32 $0x28A0;
	[sflag:s15] =	ssyncadd.s32 $0xFFFFF9C0  }
0x25: {  	[spmem:s2] =	stream.indirect.scatter.add.f32 [tilespmem:s14], [sflag:$0x2], $0x10, s31, s13, $0xb8;
	[tilespmem:$0xA780] =	vst v63  }
0x26: {  	_ =	swait.ge [sflag:s11], $0x640  }
0x27: {  	s18 =	simm.s32 $0x340;
	s17 =	simm.s32 $0x1A0;
	[sflag:s11] =	ssyncset.done $0x0  }
.LBB2_4:
0x28: {  	s19 =	sshra.s32 s17, $0x2  }
0x29: {  	[sflag:s11] =	ssyncadd.s32 $0xFFFFF9C0;
	s17 =	smov.u32 s18;
	s20 =	sadd.s32 $0x1A0, s18  }
0x2a: {  	[tilespmem:s14], [sflag:$0x1] =	stream.indirect.gather [hbm4b:s4+s13], $0x10, s19, s13, $0xb8;
	[tilespmem:$0xA780] =	vst v63  }
0x2b: {  	p0 =	sne.s32 s18, $0xA0E0;
	_ =	swait.ge [sflag:s15], $0x640  }
.Ltmp1:
0x2c: {  	[sflag:s15] =	ssyncset.done $0x0;
	(pc) =	sbr.rel @p0 .LBB2_4-.Ltmp1, $4  }
0x2d: {  	s18 =	sadd.s32 $0x28A0, s19;
	[sflag:s15] =	ssyncadd.s32 $0xFFFFF9C0  }
0x2e: {  	[spmem:s2] =	stream.indirect.scatter.add.f32 [tilespmem:s14], [sflag:$0x2], $0x10, s18, s13, $0xb8;
	[tilespmem:$0xA780] =	vst v63  }
0x2f: {  	_ =	swait.ge [sflag:s11], $0x640  }
0x30: {  	s18 =	smov.u32 s20;
	[sflag:s11] =	ssyncset.done $0x0  }
0x31: {  	s17 =	sshra.s32 s17, $0x2;
	[sflag:s11] =	ssyncadd.s32 $0xFFFFF9C0  }
0x32: {  	[tilespmem:s14], [sflag:$0x1] =	stream.indirect.gather [hbm4b:s4+s13], $0x10, s17, s13, $0xb8;
	[tilespmem:$0xA780] =	vst v63  }
0x33: {  	_ =	swait.ge [sflag:s15], $0x640  }
0x34: {  	[sflag:s15] =	ssyncset.done $0x0  }
0x35: {  	s17 =	sadd.s32 $0x28A0, s17;
	[sflag:s15] =	ssyncadd.s32 $0xFFFFF9C0  }
0x36: {  	[spmem:s2] =	stream.indirect.scatter.add.f32 [tilespmem:s14], [sflag:$0x2], $0x10, s17, s13, $0xb8;
	[tilespmem:$0xA780] =	vst v63  }
0x37: {  	_ =	swait.ge [sflag:s11], $0x640  }
0x38: {  	[sflag:s11] =	ssyncset.done $0x0  }
0x39: {  	[sflag:s11] =	ssyncadd.s32 $0xFFFFF9C0  }
0x3a: {  	[bflag:$0x0] =	sbarrier.arrive $0xFFFF  }
0x3b: {  	[tilespmem:s10], [sflag:$0x2] =	stream.linear.gather [spmem:s5], $0x2800, $0x38;
	[tilespmem:$0xA780] =	vst v63  }
0x3c: {  	s16 =	sadd.s32 $0x1, s16;
	_ =	swait.ge [sflag:s11], $0x2800  }
0x3d: {  	p0 =	sne.s32 s16, s9;
	[sflag:s11] =	ssyncset.done $0x0  }
.Ltmp2:
0x3e: {  	[sflag:s11] =	ssyncadd.s32 $0xFFFFD800;
	(pc) =	sbr.rel @p0 .LBB2_1-.Ltmp2, $4  }
0x3f: {  	[hbm4b:s8+s3] =	stream.linear.scatter [tilespmem:s10], [sflag:$0x2], $0x2800, $0x38;
	[tilespmem:$0xA780] =	vst v63  }
0x40: {  	_ =	swait.ge [sflag:s11], $0x2800  }
0x41: {  	[sflag:s11] =	ssyncset.done $0x0  }
0x42: {  	[sflag:s11] =	ssyncadd.s32 $0xFFFFD800  }
0x43: {  	_ =	sfence.sel $0x180000  }
0x44: {  	[bflag:$0x0] =	sbarrier.arrive $0xFFFF  }
0x45: {  	p0 =	sne.s32 s1, $0x0;
	_ =	strace $0x9000004A  }
0x46: {  	s0 =	sadd.s32 @!p0 $0x100000, s0;
	[bflag:$0x2] =	sbarrier.arrive $0xFFFF  }
0x47: {  	[sflag:s0] =	ssyncadd.tile.s32 @!p0 $0x1;
	_ =	shalt  }
.Lfunc_end2:
_tile_overlayer_lowered:
.L_overlay_start_2:
0x48: {  	(tag) =	ssettag $0x2  }
0x49: {  	s0 =	rddreg [dreg:$0x0];
	s2 =	stileid.u32  }
0x4a: {  	s1 =	rddreg [dreg:$0x1];
	p0 =	sne.s32 s2, $0x0  }
0x4b: {  	s3 =	rddreg [dreg:$0x2];
	[bflag:$0x3] =	sbarrier.arrive $0xFFFF;
	s2 =	simm.s32 @!p0 $0x1C02  }
0x4c: {  	[timem:s3], [sflag:s2] =	dma.local @!p0 [hbm:s0], s1  }
0x4d: {  	s0 =	simm.s32 @!p0 $0x2  }
0x4e: {  	_ =	swait.ge @!p0 [sflag:s0], s1  }
0x4f: {  	s1 =	ssub.s32 @!p0 $0x0, s1;
	[sflag:s0] =	ssyncset.done @!p0 $0x0  }
0x50: {  	[sflag:s0] =	ssyncadd.s32 @!p0 s1  }
0x51: {  	[bflag:$0x3] =	sbarrier.arrive $0xFFFF  }
0x52: {  	_ =	shalt  }

// kernel: kernel.15.cloned.1.call-start
scs
__scs_entry_jumppad:
0x0: {  	(pc) =	sbr.rel $0x88, $3  }
0x1: {  	(tag) =	ssettag $0x0;
	lr =	simm.s32 $0x1  }
0x2: {  	[smem:$0x3F95] =	sst lr;
	_ =	strace $0xD0000000  }
0x3: {  	_ = 	snop  }
0x4: {  	_ = 	snop  }
0x5: {  	_ = 	snop  }
0x6: {  	_ = 	snop  }
0x7: {  	_ = 	snop  }
__scs_overlays_trampoline_lowered:
0x8: {  	[smem:$0x3FA4] =	sst s0  }
0x9: {  	[smem:$0x3FA5] =	sst s1  }
0xa: {  	[smem:$0x3FA6] =	sst s2  }
0xb: {  	[smem:$0x3FA7] =	sst s3  }
0xc: {  	[smem:$0x3FA8] =	sst s4  }
0xd: {  	[smem:$0x3FA9] =	sst s5  }
0xe: {  	[smem:$0x3FAA] =	sst s6  }
0xf: {  	[smem:$0x3FAB] =	sst s7  }
0x10: {  	[smem:$0x3FAC] =	sst s8  }
0x11: {  	[smem:$0x3FAD] =	sst s9;
	s0 =	simm.s32 @!p0 $0x0  }
0x12: {  	s1 =	sld [smem:$0x3F93];
	s0 =	simm.s32 @p0 $0x1  }
0x13: {  	[smem:$0x3FAE] =	sst s0;
	s0 =	simm.s32 @!p1 $0x0  }
0x14: {  	s2 =	sld [smem:$0x3F92];
	s0 =	simm.s32 @p1 $0x1  }
0x15: {  	[smem:$0x3FAF] =	sst s0;
	s0 =	simm.s32 @!p2 $0x0  }
0x16: {  	s3 =	sld [smem:$0x3FDB];
	s0 =	simm.s32 @p2 $0x1  }
0x17: {  	s4 =	simm.s32 $0x1BF5;
	[smem:$0x3FB1] =	sst s0  }
0x18: {  	s0 =	sld [smem:$0x3F94];
	_ =	swait.ge [sflag:s4], $0x0  }
0x19: {  	s7 =	sld [smem:$0x3F95]  }
0x1a: {  	s8 =	sadd.s32 $0xFFFFE003, lr  }
0x1b: {  	s9 =	sadd.s32 $0xFFFFFEF7, lr;
	s5 =	simm.s32 $0xFFFFFFFF;
	p2 =	slt.u32 s8, $0xFFFFF086  }
0x1c: {  	p1 =	slt.u32 s9, $0xF7A;
	s5 =	simm.s32 @!p2 $0x0  }
0x1d: {  	s5 =	simm.s32 @p1 $0x1;
	p0 =	seq.s32 s7, s2  }
0x1e: {  	s7 =	smul.u32 @!p0 $0xF7A, s2;
	p2 =	seq.s32 @!p0 s5, $0x0  }
0x1f: {  	s9 =	smul.u32 $0xF7A, s1;
	s8 =	simm.s32 @!p0 $0x1BF5;
	p2 =	por !p2, p0  }
0x20: {  	[sflag:s8] =	ssyncset.s32 @!p0 $0xFFFFF086;
	s6 =	sadd.s32 @!p0 s3, s7;
	s7 =	simm.s32 @!p0 $0x108  }
0x21: {  	s3 =	sadd.s32 s3, s9;
	s6 =	sadd.s32 @!p0 $0x88, s6;
	s7 =	simm.s32 @p2 $0x1082  }
0x22: {  	[simem:s7], [sflag:s8] =	dma.local @!p0 [hbm:s6], $0xF7A  }
0x23: {  	s9 =	sor.u32 $0xD0000000, s2;
	s6 =	simm.s32 $0x108;
	_ =	swait.ge @!p0 [sflag:s8], $0x0  }
0x24: {  	s3 =	sadd.s32 $0x88, s3;
	s6 =	simm.s32 @!p1 $0x1082;
	[sflag:s4] =	ssyncset.s32 $0xFFFFF086  }
0x25: {  	[simem:s6], [sflag:s4] =	dma.local [hbm:s3], $0xF7A  }
0x26: {  	[smem:$0x3F95] =	sst s1;
	(tag) =	ssettag s2;
	_ =	strace s9  }
0x27: {  	s1 =	sld [smem:$0x3FA5]  }
0x28: {  	s2 =	sld [smem:$0x3FA6]  }
0x29: {  	s4 =	sld [smem:$0x3FA8]  }
0x2a: {  	p0 =	seq.s32 s5, $0x0;
	s5 =	sld [smem:$0x3FA9]  }
0x2b: {  	s6 =	sld [smem:$0x3FAA]  }
0x2c: {  	s7 =	sld [smem:$0x3FAB]  }
0x2d: {  	s3 =	simm.s32 $0x108;
	s8 =	sld [smem:$0x3FAC]  }
0x2e: {  	s3 =	simm.s32 @!p0 $0x1082;
	s9 =	sld [smem:$0x3FAD]  }
0x2f: {  	lr =	sadd.s32 s0, s3;
	s0 =	sld [smem:$0x3FA4]  }
0x30: {  	s3 =	sld [smem:$0x3FA7]  }
0x31: {  	[smem:$0x3FB0] =	sst s10  }
0x32: {  	s10 =	sld [smem:$0x3FAE];
	_ =	sdelay $0x3  }
0x33: {  	p0 =	seq.s32 s10, $0x1;
	s10 =	sld [smem:$0x3FB0];
	_ =	sdelay $0x3  }
0x34: {  	[smem:$0x3FB0] =	sst s10  }
0x35: {  	s10 =	sld [smem:$0x3FAF];
	_ =	sdelay $0x3  }
0x36: {  	p1 =	seq.s32 s10, $0x1;
	s10 =	sld [smem:$0x3FB0];
	_ =	sdelay $0x3  }
0x37: {  	[smem:$0x3FB0] =	sst s10  }
0x38: {  	s10 =	sld [smem:$0x3FB1]  }
0x39: {  	_ = 	snop;
	(pc) =	sbr.ind lr, $3  }
0x3a: {  	_ = 	snop  }
0x3b: {  	_ = 	snop  }
0x3c: {  	p2 =	seq.s32 s10, $0x1;
	s10 =	sld [smem:$0x3FB0]  }
0x3d: {  	_ =	shalt  }
0x3e: {  	_ =	shalt  }
0x3f: {  	_ =	shalt  }
0x40: {  	_ =	shalt  }
0x41: {  	_ =	shalt  }
0x42: {  	_ =	shalt  }
0x43: {  	_ =	shalt  }
0x44: {  	_ =	shalt  }
0x45: {  	_ =	shalt  }
0x46: {  	_ =	shalt  }
0x47: {  	_ =	shalt  }
0x48: {  	_ =	shalt  }
0x49: {  	_ =	shalt  }
0x4a: {  	_ =	shalt  }
0x4b: {  	_ =	shalt  }
0x4c: {  	_ =	shalt  }
0x4d: {  	_ =	shalt  }
0x4e: {  	_ =	shalt  }
0x4f: {  	_ =	shalt  }
0x50: {  	_ =	shalt  }
0x51: {  	_ =	shalt  }
0x52: {  	_ =	shalt  }
0x53: {  	_ =	shalt  }
0x54: {  	_ =	shalt  }
0x55: {  	_ =	shalt  }
0x56: {  	_ =	shalt  }
0x57: {  	_ =	shalt  }
0x58: {  	_ =	shalt  }
0x59: {  	_ =	shalt  }
0x5a: {  	_ =	shalt  }
0x5b: {  	_ =	shalt  }
0x5c: {  	_ =	shalt  }
0x5d: {  	_ =	shalt  }
0x5e: {  	_ =	shalt  }
0x5f: {  	_ =	shalt  }
0x60: {  	_ =	shalt  }
0x61: {  	_ =	shalt  }
0x62: {  	_ =	shalt  }
0x63: {  	_ =	shalt  }
0x64: {  	_ =	shalt  }
0x65: {  	_ =	shalt  }
0x66: {  	_ =	shalt  }
0x67: {  	_ =	shalt  }
0x68: {  	_ =	shalt  }
0x69: {  	_ =	shalt  }
0x6a: {  	_ =	shalt  }
0x6b: {  	_ =	shalt  }
0x6c: {  	_ =	shalt  }
0x6d: {  	_ =	shalt  }
0x6e: {  	_ =	shalt  }
0x6f: {  	_ =	shalt  }
0x70: {  	_ =	shalt  }
0x71: {  	_ =	shalt  }
0x72: {  	_ =	shalt  }
0x73: {  	_ =	shalt  }
0x74: {  	_ =	shalt  }
0x75: {  	_ =	shalt  }
0x76: {  	_ =	shalt  }
0x77: {  	_ =	shalt  }
0x78: {  	_ =	shalt  }
0x79: {  	_ =	shalt  }
0x7a: {  	_ =	shalt  }
0x7b: {  	_ =	shalt  }
0x7c: {  	_ =	shalt  }
0x7d: {  	_ =	shalt  }
0x7e: {  	_ =	shalt  }
0x7f: {  	_ =	shalt  }
0x80: {  	_ =	shalt  }
0x81: {  	_ =	shalt  }
0x82: {  	_ =	shalt  }
0x83: {  	_ =	shalt  }
0x84: {  	_ =	shalt  }
0x85: {  	_ =	shalt  }
0x86: {  	_ =	shalt  }
0x87: {  	_ =	shalt  }
.Lfunc_end0:
.L_simem_size_0:
called_computation.2_lowered:
.L_overlay_start_0:
0x88: {  	s2 =	sld [smem:$0x3FD9]  }
0x89: {  	s3 =	sld [smem:$0x3FFE];
	_ =	sdelay $0x1  }
0x8a: {  	s1 =	srdreg.scid  }
0x8b: {  	s0 =	sand.u32 $0x1, s1  }
0x8c: {  	s16 =	sshll.u32 s0, $0xA;
	s2 =	sadd.s32 s3, s2  }
0x8d: {  	s2 =	sadd.s32 s2, s16  }
0x8e: {  	[smem:$0x3FBC] =	sst s2  }
0x8f: {  	_ = 	snop  }
0x90: {  	(tm) =	ssettm $0x1  }
0x91: {  	s17 =	sld [smem:$0x3FFB];
	_ =	sdelay $0x3  }
0x92: {  	_ =	strace s17  }
0x93: {  	s2 =	sld [smem:$0x3FFC];
	_ =	sdelay $0x3  }
0x94: {  	_ =	strace s2  }
0x95: {  	s2 =	sld [smem:$0x3FFD];
	_ =	sdelay $0x3  }
0x96: {  	_ =	strace s2  }
0x97: {  	_ =	strace $0x8FFFFFFF  }
0x98: {  	s18 =	sld [smem:$0x3FDB];
	_ =	sdelay $0x1  }
0x99: {  	s19 =	simm.s32 $_scs_section_size  }
0x9a: {  	s4 =	simm.s32 $_size__tile_overlayer_lowered;
	s5 =	simm.s32 $_tile_overlayer_lowered  }
0x9b: {  	s22 =	simm.s32 $0x1BFF;
	s21 =	sshll.u32 s5, $0x1;
	s2 =	sadd.s32 s19, s18  }
0x9c: {  	s6 =	simm.s32 $0x0;
	s20 =	sshll.u32 s4, $0x1;
	s4 =	sadd.s32 s21, s2  }
0x9d: {  	[timem:s6], [sflag:s22] =	dma.local [hbm:s4], s20  }
0x9e: {  	_ =	swait.ge [sflag:s22], s20  }
0x9f: {  	s3 =	ssub.s32 $0x0, s20;
	[sflag:s22] =	ssyncset.done $0x0  }
0xa0: {  	[sflag:s22] =	ssyncadd.s32 s3;
	_ =	sdelay $0x1  }
0xa1: {  	s23 =	simm.s32 $0x1B8B  }
0xa2: {  	_ =	swait.ge [sflag:s23], $0x1  }
0xa3: {  	[sflag:s23] =	ssyncset.done $0x0  }
0xa4: {  	s25 =	simm.s32 $0x1B8E;
	s24 =	sld [smem:$0x3FFE];
	[sflag:s23] =	ssyncadd.s32 $0xFFFFFFFF  }
0xa5: {  	s26 =	simm.s32 $execute0_lowered;
	[smem:$0x3FD2] =	sst s25  }
0xa6: {  	s4 =	sshll.u32 s26, $0x1;
	_ =	strace $0x8000004C;
	[dreg:$0x1] =	wrdreg $0xFFFFFFFF  }
0xa7: {  	s28 =	simm.s32 $_size_execute0_lowered;
	s2 =	sadd.s32 s2, s4;
	[dreg:$0x0] =	wrdreg $0x0  }
0xa8: {  	s4 =	sshll.u32 s28, $0x1;
	[dreg:$0x2] =	wrdreg s2  }
0xa9: {  	[dreg:$0x3] =	wrdreg s4  }
0xaa: {  	[dreg:$0x4] =	wrdreg $0xC0  }
0xab: {  	_ =	task [dreg:s6], $0x5FFFF  }
0xac: {  	[dreg:$0x1] =	wrdreg $0xFFFFFFFF  }
0xad: {  	[dreg:$0x0] =	wrdreg $0x60  }
0xae: {  	[dreg:$0x2] =	wrdreg s24  }
0xaf: {  	[dreg:$0x3] =	wrdreg $0x7F800  }
0xb0: {  	[dreg:$0x4] =	wrdreg $0x9  }
0xb1: {  	_ =	task.clear_ibuf [dreg:s6], $0x5FFFF;
	_ =	strace $0x9000004C  }
0xb2: {  	s29 =	simm.s32 $0x9;
	_ =	strace $0x8000004E  }
0xb3: {  	_ =	swait.ge [sflag:s29], $0x1  }
0xb4: {  	[sflag:s29] =	ssyncadd.s32 $0xFFFFFFFF  }
0xb5: {  	_ =	strace $0x9000004E  }
0xb6: {  	_ =	sfence  }
0xb7: {  	s30 =	sld [smem:$0x0];
	_ =	sdelay $0x2  }
0xb8: {  	s31 =	sshll.u32 s1, $0xD;
	s1 =	sshrl.u32 s1, $0x2  }
0xb9: {  	s3 =	sand.u32 $0x4000, s31;
	s1 =	sadd.s32 s1, s30  }
0xba: {  	s0 =	sor.u32 s3, s0;
	s1 =	sshll.u32 s1, $0x11  }
0xbb: {  	s0 =	sor.u32 s1, s0  }
0xbc: {  	s0 =	sadd.s32 $0x8F2B, s0  }
0xbd: {  	[sflag:s0] =	ssyncadd.remote.s32 $0x1  }
0xbe: {  	_ =	sfence.sel $0xFFFF  }
0xbf: {  	[dreg:$0x0] =	wrdreg $0xFFFFFFFF;
	(pc) =	sbr.abs _section_cstart, $3  }
0xc0: {  	[dreg:$0x1] =	wrdreg $0xFFFFFFFF  }
0xc1: {  	_ =	task.clear_ibuf [dreg:s6], $0x2FFFF;
	_ =	strace $0x9FFFFFFF  }
0xc2: {  	(tm) =	ssettm $0x7FFFFFFF  }
0xc3: {  	_ =	shalt  }
tec
execute0_lowered:
.L_overlay_start_1:
0x0: {  	(tag) =	ssettag $0x1  }
0x1: {  	s5 =	rddreg [dreg:$0x0]  }
0x2: {  	s2 =	rddreg [dreg:$0x1]  }
0x3: {  	s0 =	rddreg [dreg:$0x2];
	s4 =	srdreg.scid  }
0x4: {  	s1 =	stileid.u32;
	s3 =	simm.s32 $0x0;
	s11 =	simm.s32 $0x2  }
0x5: {  	s12 =	simm.s32 $0x28A0;
	s13 =	simm.s32 $0x64;
	s14 =	simm.s32 $0x5140  }
0x6: {  	s15 =	simm.s32 $0x1;
	s16 =	simm.s32 $0x0;
	s4 =	sand.u32 $0x1, s4  }
0x7: {  	s6 =	smul.u32 $0x2800, s1;
	[smem:$0x7FF] =	sst s3;
	s7 =	sshll.u32 s4, $0x4  }
0x8: {  	s8 =	smul.u32 $0x28000, s4;
	_ =	strace $0x8000004D;
	s9 =	ssub.s32 $0x2, s4  }
0x9: {  	s4 =	sadd.s32 $0xE000, s5;
	s7 =	sor.u32 s1, s7;
	s10 =	sshrl.u32 s9, $0x1  }
0xa: {  	s7 =	smul.u32 $0x514, s7;
	s8 =	sadd.s32 s6, s8;
	s9 =	ssub.s32 s9, s10  }
0xb: {  	s10 =	simm.s32 $0x5780;
	s8 =	sshrl.u32 s8, $0x3;
	s9 =	smax.u32 s9, $0x1  }
0xc: {  	s7 =	sadd.s32 s7, s5;
	s8 =	sadd.s32 s8, s5;
	s5 =	sadd.s32 s6, s2  }
0xd: {  	v0 =	vimm.f32 $0.0e+00;
	s6 =	sadd.s32 $0x13000, s7;
	s7 =	sadd.s32 $0x3C00, s7;
	s8 =	sadd.s32 $0x6B800, s8  }
.LBB2_1:
0xe: {  	s17 =	simm.s32 $0x40;
	s18 =	simm.s32 $0x0  }
.LBB2_2:
0xf: {  	p0 =	sne.s32 s17, $0x9FC0;
	[tilespmem:s18+$0x5780] =	vst v0;
	s18 =	smov.u32 s17;
	s17 =	sadd.s32 $0x40, s17  }
.Ltmp0:
0x10: {  	(pc) =	sbr.rel @p0 .LBB2_2-.Ltmp0, $2  }
0x11: {  	_ =	sdelay $0x2  }
0x12: {  	s18 =	sshra.s32 s18, $0x2  }
0x13: {  	[tilespmem:s18+$0x5780] =	vst v0  }
0x14: {  	[spmem:s5] =	stream.linear.scatter [tilespmem:s10], [sflag:$0x2], $0x2800, $0x38;
	[tilespmem:$0xA780] =	vst v63  }
0x15: {  	_ =	swait.ge [sflag:s11], $0x2800  }
0x16: {  	[sflag:s11] =	ssyncset.done $0x0  }
0x17: {  	s17 =	simm.s32 $0x0;
	[sflag:s11] =	ssyncadd.s32 $0xFFFFD800  }
0x18: {  	[tilespmem:s17], [sflag:$0x2] =	stream.linear.gather [hbm4b:s6+s17], $0x28A0, $0x38;
	[tilespmem:$0xA780] =	vst v63  }
0x19: {  	_ =	swait.ge [sflag:s11], $0x28A0  }
0x1a: {  	[sflag:s11] =	ssyncset.done $0x0  }
0x1b: {  	[sflag:s11] =	ssyncadd.s32 $0xFFFFD760  }
0x1c: {  	[tilespmem:s12], [sflag:$0x2] =	stream.linear.gather [hbm4b:s7+s17], $0x28A0, $0x38;
	[tilespmem:$0xA780] =	vst v63  }
0x1d: {  	_ =	swait.ge [sflag:s11], $0x28A0  }
0x1e: {  	[sflag:s11] =	ssyncset.done $0x0  }
0x1f: {  	[sflag:s11] =	ssyncadd.s32 $0xFFFFD760  }
0x20: {  	s30 =	simm.s32 $0x0;
	[bflag:$0x0] =	sbarrier.arrive $0xFFFF  }
0x21: {  	[tilespmem:s14], [sflag:$0x1] =	stream.indirect.gather [hbm4b:s4+s13], $0x10, s30, s13, $0xb8;
	[tilespmem:$0xA780] =	vst v63  }
0x22: {  	_ =	swait.ge [sflag:s15], $0x640  }
0x23: {  	[sflag:s15] =	ssyncset.done $0x0  }
0x24: {  	s31 =	simm.s32 $0x28A0;
	[sflag:s15] =	ssyncadd.s32 $0xFFFFF9C0  }
0x25: {  	[spmem:s2] =	stream.indirect.scatter.add.f32 [tilespmem:s14], [sflag:$0x2], $0x10, s31, s13, $0xb8;
	[tilespmem:$0xA780] =	vst v63  }
0x26: {  	_ =	swait.ge [sflag:s11], $0x640  }
0x27: {  	s18 =	simm.s32 $0x340;
	s17 =	simm.s32 $0x1A0;
	[sflag:s11] =	ssyncset.done $0x0  }
.LBB2_4:
0x28: {  	s19 =	sshra.s32 s17, $0x2  }
0x29: {  	[sflag:s11] =	ssyncadd.s32 $0xFFFFF9C0;
	s17 =	smov.u32 s18;
	s20 =	sadd.s32 $0x1A0, s18  }
0x2a: {  	[tilespmem:s14], [sflag:$0x1] =	stream.indirect.gather [hbm4b:s4+s13], $0x10, s19, s13, $0xb8;
	[tilespmem:$0xA780] =	vst v63  }
0x2b: {  	p0 =	sne.s32 s18, $0xA0E0;
	_ =	swait.ge [sflag:s15], $0x640  }
.Ltmp1:
0x2c: {  	[sflag:s15] =	ssyncset.done $0x0;
	(pc) =	sbr.rel @p0 .LBB2_4-.Ltmp1, $4  }
0x2d: {  	s18 =	sadd.s32 $0x28A0, s19;
	[sflag:s15] =	ssyncadd.s32 $0xFFFFF9C0  }
0x2e: {  	[spmem:s2] =	stream.indirect.scatter.add.f32 [tilespmem:s14], [sflag:$0x2], $0x10, s18, s13, $0xb8;
	[tilespmem:$0xA780] =	vst v63  }
0x2f: {  	_ =	swait.ge [sflag:s11], $0x640  }
0x30: {  	s18 =	smov.u32 s20;
	[sflag:s11] =	ssyncset.done $0x0  }
0x31: {  	s17 =	sshra.s32 s17, $0x2;
	[sflag:s11] =	ssyncadd.s32 $0xFFFFF9C0  }
0x32: {  	[tilespmem:s14], [sflag:$0x1] =	stream.indirect.gather [hbm4b:s4+s13], $0x10, s17, s13, $0xb8;
	[tilespmem:$0xA780] =	vst v63  }
0x33: {  	_ =	swait.ge [sflag:s15], $0x640  }
0x34: {  	[sflag:s15] =	ssyncset.done $0x0  }
0x35: {  	s17 =	sadd.s32 $0x28A0, s17;
	[sflag:s15] =	ssyncadd.s32 $0xFFFFF9C0  }
0x36: {  	[spmem:s2] =	stream.indirect.scatter.add.f32 [tilespmem:s14], [sflag:$0x2], $0x10, s17, s13, $0xb8;
	[tilespmem:$0xA780] =	vst v63  }
0x37: {  	_ =	swait.ge [sflag:s11], $0x640  }
0x38: {  	[sflag:s11] =	ssyncset.done $0x0  }
0x39: {  	[sflag:s11] =	ssyncadd.s32 $0xFFFFF9C0  }
0x3a: {  	[bflag:$0x0] =	sbarrier.arrive $0xFFFF  }
0x3b: {  	[tilespmem:s10], [sflag:$0x2] =	stream.linear.gather [spmem:s5], $0x2800, $0x38;
	[tilespmem:$0xA780] =	vst v63  }
0x3c: {  	s16 =	sadd.s32 $0x1, s16;
	_ =	swait.ge [sflag:s11], $0x2800  }
0x3d: {  	p0 =	sne.s32 s16, s9;
	[sflag:s11] =	ssyncset.done $0x0  }
.Ltmp2:
0x3e: {  	[sflag:s11] =	ssyncadd.s32 $0xFFFFD800;
	(pc) =	sbr.rel @p0 .LBB2_1-.Ltmp2, $4  }
0x3f: {  	[hbm4b:s8+s3] =	stream.linear.scatter [tilespmem:s10], [sflag:$0x2], $0x2800, $0x38;
	[tilespmem:$0xA780] =	vst v63  }
0x40: {  	_ =	swait.ge [sflag:s11], $0x2800  }
0x41: {  	[sflag:s11] =	ssyncset.done $0x0  }
0x42: {  	[sflag:s11] =	ssyncadd.s32 $0xFFFFD800  }
0x43: {  	_ =	sfence.sel $0x180000  }
0x44: {  	[bflag:$0x0] =	sbarrier.arrive $0xFFFF  }
0x45: {  	p0 =	sne.s32 s1, $0x0;
	_ =	strace $0x9000004D  }
0x46: {  	s0 =	sadd.s32 @!p0 $0x100000, s0;
	[bflag:$0x2] =	sbarrier.arrive $0xFFFF  }
0x47: {  	[sflag:s0] =	ssyncadd.tile.s32 @!p0 $0x1;
	_ =	shalt  }
.Lfunc_end2:
_tile_overlayer_lowered:
.L_overlay_start_2:
0x48: {  	(tag) =	ssettag $0x2  }
0x49: {  	s0 =	rddreg [dreg:$0x0];
	s2 =	stileid.u32  }
0x4a: {  	s1 =	rddreg [dreg:$0x1];
	p0 =	sne.s32 s2, $0x0  }
0x4b: {  	s3 =	rddreg [dreg:$0x2];
	[bflag:$0x3] =	sbarrier.arrive $0xFFFF;
	s2 =	simm.s32 @!p0 $0x1C02  }
0x4c: {  	[timem:s3], [sflag:s2] =	dma.local @!p0 [hbm:s0], s1  }
0x4d: {  	s0 =	simm.s32 @!p0 $0x2  }
0x4e: {  	_ =	swait.ge @!p0 [sflag:s0], s1  }
0x4f: {  	s1 =	ssub.s32 @!p0 $0x0, s1;
	[sflag:s0] =	ssyncset.done @!p0 $0x0  }
0x50: {  	[sflag:s0] =	ssyncadd.s32 @!p0 s1  }
0x51: {  	[bflag:$0x3] =	sbarrier.arrive $0xFFFF  }
0x52: {  	_ =	shalt  }

// kernel: kernel.9.cloned.1.call-start
scs
__scs_entry_jumppad:
0x0: {  	(pc) =	sbr.rel $0x88, $3  }
0x1: {  	(tag) =	ssettag $0x0;
	lr =	simm.s32 $0x1  }
0x2: {  	[smem:$0x3F95] =	sst lr;
	_ =	strace $0xD0000000  }
0x3: {  	_ = 	snop  }
0x4: {  	_ = 	snop  }
0x5: {  	_ = 	snop  }
0x6: {  	_ = 	snop  }
0x7: {  	_ = 	snop  }
__scs_overlays_trampoline_lowered:
0x8: {  	[smem:$0x3FA4] =	sst s0  }
0x9: {  	[smem:$0x3FA5] =	sst s1  }
0xa: {  	[smem:$0x3FA6] =	sst s2  }
0xb: {  	[smem:$0x3FA7] =	sst s3  }
0xc: {  	[smem:$0x3FA8] =	sst s4  }
0xd: {  	[smem:$0x3FA9] =	sst s5  }
0xe: {  	[smem:$0x3FAA] =	sst s6  }
0xf: {  	[smem:$0x3FAB] =	sst s7  }
0x10: {  	[smem:$0x3FAC] =	sst s8  }
0x11: {  	[smem:$0x3FAD] =	sst s9;
	s0 =	simm.s32 @!p0 $0x0  }
0x12: {  	s1 =	sld [smem:$0x3F93];
	s0 =	simm.s32 @p0 $0x1  }
0x13: {  	[smem:$0x3FAE] =	sst s0;
	s0 =	simm.s32 @!p1 $0x0  }
0x14: {  	s2 =	sld [smem:$0x3F92];
	s0 =	simm.s32 @p1 $0x1  }
0x15: {  	[smem:$0x3FAF] =	sst s0;
	s0 =	simm.s32 @!p2 $0x0  }
0x16: {  	s3 =	sld [smem:$0x3FDB];
	s0 =	simm.s32 @p2 $0x1  }
0x17: {  	s4 =	simm.s32 $0x1BF5;
	[smem:$0x3FB1] =	sst s0  }
0x18: {  	s0 =	sld [smem:$0x3F94];
	_ =	swait.ge [sflag:s4], $0x0  }
0x19: {  	s7 =	sld [smem:$0x3F95]  }
0x1a: {  	s8 =	sadd.s32 $0xFFFFE003, lr  }
0x1b: {  	s9 =	sadd.s32 $0xFFFFFEF7, lr;
	s5 =	simm.s32 $0xFFFFFFFF;
	p2 =	slt.u32 s8, $0xFFFFF086  }
0x1c: {  	p1 =	slt.u32 s9, $0xF7A;
	s5 =	simm.s32 @!p2 $0x0  }
0x1d: {  	s5 =	simm.s32 @p1 $0x1;
	p0 =	seq.s32 s7, s2  }
0x1e: {  	s7 =	smul.u32 @!p0 $0xF7A, s2;
	p2 =	seq.s32 @!p0 s5, $0x0  }
0x1f: {  	s9 =	smul.u32 $0xF7A, s1;
	s8 =	simm.s32 @!p0 $0x1BF5;
	p2 =	por !p2, p0  }
0x20: {  	[sflag:s8] =	ssyncset.s32 @!p0 $0xFFFFF086;
	s6 =	sadd.s32 @!p0 s3, s7;
	s7 =	simm.s32 @!p0 $0x108  }
0x21: {  	s3 =	sadd.s32 s3, s9;
	s6 =	sadd.s32 @!p0 $0x88, s6;
	s7 =	simm.s32 @p2 $0x1082  }
0x22: {  	[simem:s7], [sflag:s8] =	dma.local @!p0 [hbm:s6], $0xF7A  }
0x23: {  	s9 =	sor.u32 $0xD0000000, s2;
	s6 =	simm.s32 $0x108;
	_ =	swait.ge @!p0 [sflag:s8], $0x0  }
0x24: {  	s3 =	sadd.s32 $0x88, s3;
	s6 =	simm.s32 @!p1 $0x1082;
	[sflag:s4] =	ssyncset.s32 $0xFFFFF086  }
0x25: {  	[simem:s6], [sflag:s4] =	dma.local [hbm:s3], $0xF7A  }
0x26: {  	[smem:$0x3F95] =	sst s1;
	(tag) =	ssettag s2;
	_ =	strace s9  }
0x27: {  	s1 =	sld [smem:$0x3FA5]  }
0x28: {  	s2 =	sld [smem:$0x3FA6]  }
0x29: {  	s4 =	sld [smem:$0x3FA8]  }
0x2a: {  	p0 =	seq.s32 s5, $0x0;
	s5 =	sld [smem:$0x3FA9]  }
0x2b: {  	s6 =	sld [smem:$0x3FAA]  }
0x2c: {  	s7 =	sld [smem:$0x3FAB]  }
0x2d: {  	s3 =	simm.s32 $0x108;
	s8 =	sld [smem:$0x3FAC]  }
0x2e: {  	s3 =	simm.s32 @!p0 $0x1082;
	s9 =	sld [smem:$0x3FAD]  }
0x2f: {  	lr =	sadd.s32 s0, s3;
	s0 =	sld [smem:$0x3FA4]  }
0x30: {  	s3 =	sld [smem:$0x3FA7]  }
0x31: {  	[smem:$0x3FB0] =	sst s10  }
0x32: {  	s10 =	sld [smem:$0x3FAE];
	_ =	sdelay $0x3  }
0x33: {  	p0 =	seq.s32 s10, $0x1;
	s10 =	sld [smem:$0x3FB0];
	_ =	sdelay $0x3  }
0x34: {  	[smem:$0x3FB0] =	sst s10  }
0x35: {  	s10 =	sld [smem:$0x3FAF];
	_ =	sdelay $0x3  }
0x36: {  	p1 =	seq.s32 s10, $0x1;
	s10 =	sld [smem:$0x3FB0];
	_ =	sdelay $0x3  }
0x37: {  	[smem:$0x3FB0] =	sst s10  }
0x38: {  	s10 =	sld [smem:$0x3FB1]  }
0x39: {  	_ = 	snop;
	(pc) =	sbr.ind lr, $3  }
0x3a: {  	_ = 	snop  }
0x3b: {  	_ = 	snop  }
0x3c: {  	p2 =	seq.s32 s10, $0x1;
	s10 =	sld [smem:$0x3FB0]  }
0x3d: {  	_ =	shalt  }
0x3e: {  	_ =	shalt  }
0x3f: {  	_ =	shalt  }
0x40: {  	_ =	shalt  }
0x41: {  	_ =	shalt  }
0x42: {  	_ =	shalt  }
0x43: {  	_ =	shalt  }
0x44: {  	_ =	shalt  }
0x45: {  	_ =	shalt  }
0x46: {  	_ =	shalt  }
0x47: {  	_ =	shalt  }
0x48: {  	_ =	shalt  }
0x49: {  	_ =	shalt  }
0x4a: {  	_ =	shalt  }
0x4b: {  	_ =	shalt  }
0x4c: {  	_ =	shalt  }
0x4d: {  	_ =	shalt  }
0x4e: {  	_ =	shalt  }
0x4f: {  	_ =	shalt  }
0x50: {  	_ =	shalt  }
0x51: {  	_ =	shalt  }
0x52: {  	_ =	shalt  }
0x53: {  	_ =	shalt  }
0x54: {  	_ =	shalt  }
0x55: {  	_ =	shalt  }
0x56: {  	_ =	shalt  }
0x57: {  	_ =	shalt  }
0x58: {  	_ =	shalt  }
0x59: {  	_ =	shalt  }
0x5a: {  	_ =	shalt  }
0x5b: {  	_ =	shalt  }
0x5c: {  	_ =	shalt  }
0x5d: {  	_ =	shalt  }
0x5e: {  	_ =	shalt  }
0x5f: {  	_ =	shalt  }
0x60: {  	_ =	shalt  }
0x61: {  	_ =	shalt  }
0x62: {  	_ =	shalt  }
0x63: {  	_ =	shalt  }
0x64: {  	_ =	shalt  }
0x65: {  	_ =	shalt  }
0x66: {  	_ =	shalt  }
0x67: {  	_ =	shalt  }
0x68: {  	_ =	shalt  }
0x69: {  	_ =	shalt  }
0x6a: {  	_ =	shalt  }
0x6b: {  	_ =	shalt  }
0x6c: {  	_ =	shalt  }
0x6d: {  	_ =	shalt  }
0x6e: {  	_ =	shalt  }
0x6f: {  	_ =	shalt  }
0x70: {  	_ =	shalt  }
0x71: {  	_ =	shalt  }
0x72: {  	_ =	shalt  }
0x73: {  	_ =	shalt  }
0x74: {  	_ =	shalt  }
0x75: {  	_ =	shalt  }
0x76: {  	_ =	shalt  }
0x77: {  	_ =	shalt  }
0x78: {  	_ =	shalt  }
0x79: {  	_ =	shalt  }
0x7a: {  	_ =	shalt  }
0x7b: {  	_ =	shalt  }
0x7c: {  	_ =	shalt  }
0x7d: {  	_ =	shalt  }
0x7e: {  	_ =	shalt  }
0x7f: {  	_ =	shalt  }
0x80: {  	_ =	shalt  }
0x81: {  	_ =	shalt  }
0x82: {  	_ =	shalt  }
0x83: {  	_ =	shalt  }
0x84: {  	_ =	shalt  }
0x85: {  	_ =	shalt  }
0x86: {  	_ =	shalt  }
0x87: {  	_ =	shalt  }
.Lfunc_end0:
.L_simem_size_0:
called_computation_lowered:
.L_overlay_start_0:
0x88: {  	s2 =	sld [smem:$0x3FD9]  }
0x89: {  	s3 =	sld [smem:$0x3FFE];
	_ =	sdelay $0x1  }
0x8a: {  	s1 =	srdreg.scid  }
0x8b: {  	s0 =	sand.u32 $0x1, s1  }
0x8c: {  	s17 =	sshll.u32 s0, $0xA;
	s2 =	sadd.s32 s3, s2  }
0x8d: {  	s2 =	sadd.s32 s2, s17  }
0x8e: {  	[smem:$0x3FBC] =	sst s2  }
0x8f: {  	_ = 	snop  }
0x90: {  	s2 =	sld [smem:$0x3FD0];
	(tm) =	ssettm $0x1  }
0x91: {  	s18 =	sld [smem:$0x3FFB];
	_ =	sdelay $0x3  }
0x92: {  	_ =	strace s18  }
0x93: {  	s3 =	sld [smem:$0x3FFC];
	_ =	sdelay $0x3  }
0x94: {  	_ =	strace s3  }
0x95: {  	s3 =	sld [smem:$0x3FFD];
	_ =	sdelay $0x3  }
0x96: {  	_ =	strace s3  }
0x97: {  	_ =	strace $0x8FFFFFFF  }
0x98: {  	s19 =	sld [smem:$0x3FDB];
	_ =	sdelay $0x1  }
0x99: {  	s4 =	simm.s32 $_scs_section_size  }
0x9a: {  	s5 =	simm.s32 $_size__tile_overlayer_lowered;
	s6 =	simm.s32 $_tile_overlayer_lowered  }
0x9b: {  	s22 =	simm.s32 $0x1BFF;
	s21 =	sshll.u32 s6, $0x1;
	s3 =	sadd.s32 s4, s19  }
0x9c: {  	s7 =	simm.s32 $0x0;
	s20 =	sshll.u32 s5, $0x1;
	s5 =	sadd.s32 s21, s3  }
0x9d: {  	[timem:s7], [sflag:s22] =	dma.local [hbm:s5], s20  }
0x9e: {  	_ =	swait.ge [sflag:s22], s20  }
0x9f: {  	s4 =	ssub.s32 $0x0, s20;
	[sflag:s22] =	ssyncset.done $0x0  }
0xa0: {  	[sflag:s22] =	ssyncadd.s32 s4;
	_ =	sdelay $0x1  }
0xa1: {  	s23 =	simm.s32 $0x1B8B  }
0xa2: {  	_ =	swait.ge [sflag:s23], $0x1  }
0xa3: {  	[sflag:s23] =	ssyncset.done $0x0  }
0xa4: {  	s25 =	simm.s32 $0x1B8E;
	s24 =	sld [smem:$0x3FFE];
	[sflag:s23] =	ssyncadd.s32 $0xFFFFFFFF  }
0xa5: {  	s26 =	simm.s32 $execute0_lowered;
	[smem:$0x3FD2] =	sst s25  }
0xa6: {  	s5 =	sshll.u32 s26, $0x1;
	_ =	strace $0x80000046;
	[dreg:$0x1] =	wrdreg $0xFFFFFFFF  }
0xa7: {  	s28 =	simm.s32 $_size_execute0_lowered;
	s3 =	sadd.s32 s3, s5;
	[dreg:$0x0] =	wrdreg $0x0  }
0xa8: {  	s5 =	sshll.u32 s28, $0x1;
	[dreg:$0x2] =	wrdreg s3  }
0xa9: {  	[dreg:$0x3] =	wrdreg s5  }
0xaa: {  	[dreg:$0x4] =	wrdreg $0xC0  }
0xab: {  	_ =	task [dreg:s7], $0x5FFFF  }
0xac: {  	[dreg:$0x1] =	wrdreg $0xFFFFFFFF  }
0xad: {  	[dreg:$0x0] =	wrdreg $0x60  }
0xae: {  	[dreg:$0x2] =	wrdreg s24  }
0xaf: {  	[dreg:$0x3] =	wrdreg s2  }
0xb0: {  	[dreg:$0x4] =	wrdreg $0x7F800  }
0xb1: {  	[dreg:$0x5] =	wrdreg $0x9  }
0xb2: {  	_ =	task.clear_ibuf [dreg:s7], $0x6FFFF;
	_ =	strace $0x90000046  }
0xb3: {  	s29 =	simm.s32 $0x9;
	_ =	strace $0x80000048  }
0xb4: {  	_ =	swait.ge [sflag:s29], $0x1  }
0xb5: {  	[sflag:s29] =	ssyncadd.s32 $0xFFFFFFFF  }
0xb6: {  	_ =	strace $0x90000048  }
0xb7: {  	_ =	sfence  }
0xb8: {  	s30 =	sld [smem:$0x0];
	_ =	sdelay $0x2  }
0xb9: {  	s31 =	sshll.u32 s1, $0xD;
	s1 =	sshrl.u32 s1, $0x2  }
0xba: {  	s3 =	sand.u32 $0x4000, s31;
	s1 =	sadd.s32 s1, s30  }
0xbb: {  	s0 =	sor.u32 s3, s0;
	s1 =	sshll.u32 s1, $0x11  }
0xbc: {  	s0 =	sor.u32 s1, s0  }
0xbd: {  	s0 =	sadd.s32 $0x8F2B, s0  }
0xbe: {  	[sflag:s0] =	ssyncadd.remote.s32 $0x1  }
0xbf: {  	_ =	sfence.sel $0xFFFF  }
0xc0: {  	[dreg:$0x0] =	wrdreg $0xFFFFFFFF;
	(pc) =	sbr.abs _section_cstart, $3  }
0xc1: {  	[dreg:$0x1] =	wrdreg $0xFFFFFFFF  }
0xc2: {  	_ =	task.clear_ibuf [dreg:s7], $0x2FFFF;
	_ =	strace $0x9FFFFFFF  }
0xc3: {  	(tm) =	ssettm $0x7FFFFFFF  }
tec
execute0_lowered:
.L_overlay_start_1:
0x0: {  	(tag) =	ssettag $0x1  }
0x1: {  	s5 =	rddreg [dreg:$0x0]  }
0x2: {  	s0 =	srdreg.scid;
	s7 =	rddreg [dreg:$0x1]  }
0x3: {  	s2 =	rddreg [dreg:$0x2];
	s3 =	simm.s32 $0x0;
	s12 =	simm.s32 $0x64  }
0x4: {  	s13 =	simm.s32 $0x5140;
	s14 =	simm.s32 $0x1;
	s15 =	simm.s32 $0x0  }
0x5: {  	s4 =	sand.u32 $0x1, s0;
	s0 =	stileid.u32;
	[smem:$0x7FF] =	sst s3  }
0x6: {  	s1 =	sshll.u32 s4, $0x4;
	s8 =	smul.u32 $0x2800, s0;
	s9 =	ssub.s32 $0x2, s4  }
0x7: {  	s10 =	smul.u32 $0x28000, s4;
	s4 =	sadd.s32 $0xE000, s5;
	s1 =	sor.u32 s0, s1  }
0x8: {  	s11 =	sshrl.u32 s9, $0x1;
	s6 =	smul.u32 $0x514, s1;
	s1 =	rddreg [dreg:$0x3]  }
0x9: {  	_ =	strace $0x80000047;
	s9 =	ssub.s32 s9, s11;
	s10 =	sadd.s32 s8, s10  }
0xa: {  	s11 =	simm.s32 $0x28A0;
	s31 =	sshrl.u32 s10, $0x3;
	s10 =	simm.s32 $0x2  }
0xb: {  	s6 =	sadd.s32 s6, s5;
	s5 =	sadd.s32 s8, s2;
	s7 =	sadd.s32 s7, s31  }
0xc: {  	v0 =	vimm.f32 $0.0e+00;
	s8 =	smax.u32 s9, $0x1;
	s9 =	simm.s32 $0x5780;
	s6 =	sadd.s32 $0x3C00, s6  }
.LBB2_1:
0xd: {  	s16 =	simm.s32 $0x40;
	s17 =	simm.s32 $0x0  }
.LBB2_2:
0xe: {  	p0 =	sne.s32 s16, $0x9FC0;
	[tilespmem:s17+$0x5780] =	vst v0;
	s17 =	smov.u32 s16;
	s16 =	sadd.s32 $0x40, s16  }
.Ltmp0:
0xf: {  	(pc) =	sbr.rel @p0 .LBB2_2-.Ltmp0, $2  }
0x10: {  	_ =	sdelay $0x2  }
0x11: {  	s17 =	sshra.s32 s17, $0x2  }
0x12: {  	[tilespmem:s17+$0x5780] =	vst v0  }
0x13: {  	[spmem:s5] =	stream.linear.scatter [tilespmem:s9], [sflag:$0x2], $0x2800, $0x38;
	[tilespmem:$0xA780] =	vst v63  }
0x14: {  	_ =	swait.ge [sflag:s10], $0x2800  }
0x15: {  	[sflag:s10] =	ssyncset.done $0x0  }
0x16: {  	s16 =	simm.s32 $0x0;
	[sflag:s10] =	ssyncadd.s32 $0xFFFFD800  }
0x17: {  	[tilespmem:s16], [sflag:$0x2] =	stream.linear.gather [hbm4b:s6+s16], $0x28A0, $0x38;
	[tilespmem:$0xA780] =	vst v63  }
0x18: {  	_ =	swait.ge [sflag:s10], $0x28A0  }
0x19: {  	[sflag:s10] =	ssyncset.done $0x0  }
0x1a: {  	[sflag:s10] =	ssyncadd.s32 $0xFFFFD760  }
0x1b: {  	[tilespmem:s11], [sflag:$0x2] =	stream.linear.gather [hbm4b:s6+s16], $0x28A0, $0x38;
	[tilespmem:$0xA780] =	vst v63  }
0x1c: {  	_ =	swait.ge [sflag:s10], $0x28A0  }
0x1d: {  	[sflag:s10] =	ssyncset.done $0x0  }
0x1e: {  	[sflag:s10] =	ssyncadd.s32 $0xFFFFD760  }
0x1f: {  	s30 =	simm.s32 $0x0;
	[bflag:$0x0] =	sbarrier.arrive $0xFFFF  }
0x20: {  	[tilespmem:s13], [sflag:$0x1] =	stream.indirect.gather [hbm4b:s4+s12], $0x10, s30, s12, $0xb8;
	[tilespmem:$0xA780] =	vst v63  }
0x21: {  	_ =	swait.ge [sflag:s14], $0x640  }
0x22: {  	[sflag:s14] =	ssyncset.done $0x0  }
0x23: {  	s31 =	simm.s32 $0x28A0;
	[sflag:s14] =	ssyncadd.s32 $0xFFFFF9C0  }
0x24: {  	[spmem:s2] =	stream.indirect.scatter.add.f32 [tilespmem:s13], [sflag:$0x2], $0x10, s31, s12, $0xb8;
	[tilespmem:$0xA780] =	vst v63  }
0x25: {  	_ =	swait.ge [sflag:s10], $0x640  }
0x26: {  	s17 =	simm.s32 $0x340;
	s16 =	simm.s32 $0x1A0;
	[sflag:s10] =	ssyncset.done $0x0  }
.LBB2_4:
0x27: {  	s18 =	sshra.s32 s16, $0x2  }
0x28: {  	[sflag:s10] =	ssyncadd.s32 $0xFFFFF9C0;
	s16 =	smov.u32 s17;
	s19 =	sadd.s32 $0x1A0, s17  }
0x29: {  	[tilespmem:s13], [sflag:$0x1] =	stream.indirect.gather [hbm4b:s4+s12], $0x10, s18, s12, $0xb8;
	[tilespmem:$0xA780] =	vst v63  }
0x2a: {  	p0 =	sne.s32 s17, $0xA0E0;
	_ =	swait.ge [sflag:s14], $0x640  }
.Ltmp1:
0x2b: {  	[sflag:s14] =	ssyncset.done $0x0;
	(pc) =	sbr.rel @p0 .LBB2_4-.Ltmp1, $4  }
0x2c: {  	s17 =	sadd.s32 $0x28A0, s18;
	[sflag:s14] =	ssyncadd.s32 $0xFFFFF9C0  }
0x2d: {  	[spmem:s2] =	stream.indirect.scatter.add.f32 [tilespmem:s13], [sflag:$0x2], $0x10, s17, s12, $0xb8;
	[tilespmem:$0xA780] =	vst v63  }
0x2e: {  	_ =	swait.ge [sflag:s10], $0x640  }
0x2f: {  	s17 =	smov.u32 s19;
	[sflag:s10] =	ssyncset.done $0x0  }
0x30: {  	s16 =	sshra.s32 s16, $0x2;
	[sflag:s10] =	ssyncadd.s32 $0xFFFFF9C0  }
0x31: {  	[tilespmem:s13], [sflag:$0x1] =	stream.indirect.gather [hbm4b:s4+s12], $0x10, s16, s12, $0xb8;
	[tilespmem:$0xA780] =	vst v63  }
0x32: {  	_ =	swait.ge [sflag:s14], $0x640  }
0x33: {  	[sflag:s14] =	ssyncset.done $0x0  }
0x34: {  	s16 =	sadd.s32 $0x28A0, s16;
	[sflag:s14] =	ssyncadd.s32 $0xFFFFF9C0  }
0x35: {  	[spmem:s2] =	stream.indirect.scatter.add.f32 [tilespmem:s13], [sflag:$0x2], $0x10, s16, s12, $0xb8;
	[tilespmem:$0xA780] =	vst v63  }
0x36: {  	_ =	swait.ge [sflag:s10], $0x640  }
0x37: {  	[sflag:s10] =	ssyncset.done $0x0  }
0x38: {  	[sflag:s10] =	ssyncadd.s32 $0xFFFFF9C0  }
0x39: {  	[bflag:$0x0] =	sbarrier.arrive $0xFFFF  }
0x3a: {  	[tilespmem:s9], [sflag:$0x2] =	stream.linear.gather [spmem:s5], $0x2800, $0x38;
	[tilespmem:$0xA780] =	vst v63  }
0x3b: {  	s15 =	sadd.s32 $0x1, s15;
	_ =	swait.ge [sflag:s10], $0x2800  }
0x3c: {  	p0 =	sne.s32 s15, s8;
	[sflag:s10] =	ssyncset.done $0x0  }
.Ltmp2:
0x3d: {  	[sflag:s10] =	ssyncadd.s32 $0xFFFFD800;
	(pc) =	sbr.rel @p0 .LBB2_1-.Ltmp2, $4  }
0x3e: {  	[hbm4b:s7+s3] =	stream.linear.scatter [tilespmem:s9], [sflag:$0x2], $0x2800, $0x38;
	[tilespmem:$0xA780] =	vst v63  }
0x3f: {  	_ =	swait.ge [sflag:s10], $0x2800  }
0x40: {  	[sflag:s10] =	ssyncset.done $0x0  }
0x41: {  	[sflag:s10] =	ssyncadd.s32 $0xFFFFD800  }
0x42: {  	_ =	sfence.sel $0x180000  }
0x43: {  	[bflag:$0x0] =	sbarrier.arrive $0xFFFF  }
0x44: {  	p0 =	sne.s32 s0, $0x0;
	_ =	strace $0x90000047  }
0x45: {  	s0 =	sadd.s32 @!p0 $0x100000, s1;
	[bflag:$0x2] =	sbarrier.arrive $0xFFFF  }
0x46: {  	[sflag:s0] =	ssyncadd.tile.s32 @!p0 $0x1;
	_ =	shalt  }
.Lfunc_end2:
_tile_overlayer_lowered:
.L_overlay_start_2:
0x47: {  	(tag) =	ssettag $0x2  }
0x48: {  	s0 =	rddreg [dreg:$0x0];
	s2 =	stileid.u32  }
0x49: {  	s1 =	rddreg [dreg:$0x1];
	p0 =	sne.s32 s2, $0x0  }
0x4a: {  	s3 =	rddreg [dreg:$0x2];
	[bflag:$0x3] =	sbarrier.arrive $0xFFFF;
	s2 =	simm.s32 @!p0 $0x1C02  }
0x4b: {  	[timem:s3], [sflag:s2] =	dma.local @!p0 [hbm:s0], s1  }
0x4c: {  	s0 =	simm.s32 @!p0 $0x2  }
0x4d: {  	_ =	swait.ge @!p0 [sflag:s0], s1  }
0x4e: {  	s1 =	ssub.s32 @!p0 $0x0, s1;
	[sflag:s0] =	ssyncset.done @!p0 $0x0  }
0x4f: {  	[sflag:s0] =	ssyncadd.s32 @!p0 s1  }
0x50: {  	[bflag:$0x3] =	sbarrier.arrive $0xFFFF  }
0x51: {  	_ =	shalt  }

</sc_bundles>
